<compile_context>
chip_gen: v7x
topology: tpu7x:2x2x1
jax: 0.10.2.dev20260603
libtpu: 0.0.44.dev20260713+nightly
codegen_flags: <defaults>
</compile_context>

<pallas_src>
import functools

import jax
import jax.numpy as jnp
from jax import lax
from jax.experimental import pallas as pl
from jax.experimental.pallas import tpu as pltpu
from jax.experimental.pallas import tpu_sc as plsc

NC = 2
NS = 16
NW = NC * NS
LANES = 16
CHUNK = 128
ROWS = 2048
SPMEM_WORDS = 2**21 - 1

_UNTILED = pltpu.CompilerParams(use_tc_tiling_on_sc=False,
                                skip_device_barrier=True)
def _mesh():
    return plsc.VectorSubcoreMesh(core_axis_name="c", subcore_axis_name="s")


def _sc_degree(ep, n1, nch):
    rpt = n1 // NS

    @functools.partial(
        pl.kernel,
        out_type=jax.ShapeDtypeStruct((NC, n1), jnp.float32),
        mesh=_mesh(),
        compiler_params=_UNTILED,
        scratch_types=[
            pltpu.VMEM((nch, CHUNK), jnp.int32),
            pltpu.VMEM((CHUNK,), jnp.float32),
            pltpu.VMEM((rpt,), jnp.float32),
            pltpu.VMEM_SHARED((n1,), jnp.float32),
        ],
    )
    def k(ep_hbm, out_hbm, didx, ones_v, zbuf, deg_sh):
        cid = lax.axis_index("c")
        sid = lax.axis_index("s")
        wid = cid * NS + sid

        @pl.loop(0, CHUNK // LANES)
        def _(i):
            ones_v[pl.ds(i * LANES, LANES)] = jnp.full((LANES,), 1.0, jnp.float32)

        @pl.loop(0, rpt // LANES)
        def _(i):
            zbuf[pl.ds(i * LANES, LANES)] = jnp.zeros((LANES,), jnp.float32)

        pltpu.sync_copy(zbuf, deg_sh.at[pl.ds(sid * rpt, rpt)])
        pltpu.sync_copy(ep_hbm.at[1, wid], didx)
        plsc.subcore_barrier()

        @pl.loop(0, nch)
        def _(j):
            pltpu.sync_copy(ones_v, deg_sh.at[didx.at[j]], add=True)

        plsc.subcore_barrier()
        pltpu.sync_copy(deg_sh.at[pl.ds(sid * rpt, rpt)], zbuf)
        pltpu.sync_copy(zbuf, out_hbm.at[cid, pl.ds(sid * rpt, rpt)])

    return k(ep)


def _sc_aggregate(g, ep, n1, nch, d, split):
    rpt = n1 // NS
    nzc = rpt // CHUNK

    per_tile = (SPMEM_WORDS - 2 * n1 * d - 4096) // NS
    assert 2 * CHUNK * d + 2 * nch * CHUNK <= per_tile, "spmem budget exceeded"

    @functools.partial(
        pl.kernel,
        out_type=jax.ShapeDtypeStruct((NC, n1, d), jnp.float32),
        mesh=_mesh(),
        compiler_params=_UNTILED,
        scratch_types=[
            pltpu.VMEM((nch, CHUNK), jnp.int32),
            pltpu.VMEM((nch, CHUNK), jnp.int32),
            pltpu.VMEM((CHUNK, d), jnp.float32),
            pltpu.VMEM((CHUNK, d), jnp.float32),
            pltpu.VMEM_SHARED((n1, d), jnp.float32),
            pltpu.VMEM_SHARED((n1, d), jnp.float32),
            pltpu.SemaphoreType.DMA,
            pltpu.SemaphoreType.DMA,
        ],
    )
    def k(g_hbm, ep_hbm, out_hbm,
          sidx, didx, rbuf0, rbuf1, g_sh, acc_sh, sem0, sem1):
        cid = lax.axis_index("c")
        sid = lax.axis_index("s")
        row0 = sid * rpt

        if split:
            pltpu.sync_copy(g_hbm.at[cid, pl.ds(row0, rpt)], g_sh.at[pl.ds(row0, rpt)])
        else:
            pltpu.sync_copy(g_hbm.at[pl.ds(row0, rpt)], g_sh.at[pl.ds(row0, rpt)])

        zoffs = list(range(0, d - LANES + 1, LANES))
        if d % LANES:
            zoffs.append(d - LANES)

        @pl.loop(0, CHUNK)
        def _(i):
            for q in zoffs:
                rbuf0[i, pl.ds(q, LANES)] = jnp.zeros((LANES,), jnp.float32)

        @pl.loop(0, nzc)
        def _(kk):
            pltpu.sync_copy(rbuf0, acc_sh.at[pl.ds(row0 + kk * CHUNK, CHUNK)])

        plsc.subcore_barrier()

        npass = NC if split else 1

        @pl.loop(0, npass)
        def _(p):
            eid = NC * sid + p if split else cid * NS + sid
            pltpu.sync_copy(ep_hbm.at[0, eid], sidx)
            pltpu.sync_copy(ep_hbm.at[1, eid], didx)
            pltpu.async_copy(g_sh.at[sidx.at[0]], rbuf0, sem0)
            pltpu.async_copy(g_sh.at[sidx.at[1]], rbuf1, sem1)

            @pl.loop(0, nch, step=2)
            def _(j):
                pltpu.make_async_copy(g_sh.at[sidx.at[j]], rbuf0, sem0).wait()
                pltpu.sync_copy(rbuf0, acc_sh.at[didx.at[j]], add=True)

                @pl.when(j + 2 < nch)
                def _():
                    pltpu.async_copy(g_sh.at[sidx.at[j + 2]], rbuf0, sem0)

                pltpu.make_async_copy(g_sh.at[sidx.at[j + 1]], rbuf1, sem1).wait()
                pltpu.sync_copy(rbuf1, acc_sh.at[didx.at[j + 1]], add=True)

                @pl.when(j + 3 < nch)
                def _():
                    pltpu.async_copy(g_sh.at[sidx.at[j + 3]], rbuf1, sem1)

        plsc.subcore_barrier()
        pltpu.sync_copy(acc_sh.at[pl.ds(row0, rpt)], out_hbm.at[cid, pl.ds(row0, rpt)])

    return k(g, ep)


def _dinv_of(deg_ref):
    return lax.rsqrt(deg_ref[:, 0:1] + deg_ref[:, 1:2] + 1.0)


def _tc_dense1(x, w1, degt, n1, f_in, f_hid):
    hd = f_hid // NC

    def body(x_ref, w_ref, deg_ref, o_ref):
        dinv = _dinv_of(deg_ref)
        h = jnp.dot(x_ref[...], w_ref[...], preferred_element_type=jnp.float32)
        g = h * dinv
        o_ref[0] = g[:, :hd]
        o_ref[1] = g[:, hd:]

    return pl.pallas_call(
        body,
        grid=(n1 // ROWS,),
        in_specs=[
            pl.BlockSpec((ROWS, f_in), lambda i: (i, 0)),
            pl.BlockSpec((f_in, f_hid), lambda i: (0, 0)),
            pl.BlockSpec((ROWS, 2), lambda i: (i, 0)),
        ],
        out_specs=pl.BlockSpec((NC, ROWS, hd), lambda i: (0, i, 0)),
        out_shape=jax.ShapeDtypeStruct((NC, n1, hd), jnp.float32),
    )(x, w1, degt)


def _tc_dense2(acc1, g1, degt, w2p, n1, f_hid, d2):
    hd = f_hid // NC

    def body(a_ref, g_ref, deg_ref, w_ref, o_ref):
        dinv = _dinv_of(deg_ref)
        s = jnp.concatenate([a_ref[0] + g_ref[0], a_ref[1] + g_ref[1]], axis=1)
        z = jnp.maximum(s * dinv, 0.0)
        o_ref[...] = jnp.dot(z, w_ref[...], preferred_element_type=jnp.float32) * dinv

    return pl.pallas_call(
        body,
        grid=(n1 // ROWS,),
        in_specs=[
            pl.BlockSpec((NC, ROWS, hd), lambda i: (0, i, 0)),
            pl.BlockSpec((NC, ROWS, hd), lambda i: (0, i, 0)),
            pl.BlockSpec((ROWS, 2), lambda i: (i, 0)),
            pl.BlockSpec((f_hid, d2), lambda i: (0, 0)),
        ],
        out_specs=pl.BlockSpec((ROWS, d2), lambda i: (i, 0)),
        out_shape=jax.ShapeDtypeStruct((n1, d2), jnp.float32),
    )(acc1, g1, degt, w2p)


def _tc_dense3(acc2, g2, degt, n, n1, d2, f_out):
    def body(a_ref, g_ref, deg_ref, o_ref):
        dinv = _dinv_of(deg_ref)
        v = (a_ref[0] + a_ref[1] + g_ref[...]) * dinv
        o_ref[...] = v[:, :f_out]

    return pl.pallas_call(
        body,
        grid=(n1 // ROWS,),
        in_specs=[
            pl.BlockSpec((NC, ROWS, d2), lambda i: (0, i, 0)),
            pl.BlockSpec((ROWS, d2), lambda i: (i, 0)),
            pl.BlockSpec((ROWS, 2), lambda i: (i, 0)),
        ],
        out_specs=pl.BlockSpec((ROWS, f_out), lambda i: (i, 0)),
        out_shape=jax.ShapeDtypeStruct((n, f_out), jnp.float32),
    )(acc2, g2, degt)


def kernel(x, edge_index, W1, W2):
    n, f_in = x.shape
    f_hid = W1.shape[1]
    f_out = W2.shape[1]
    e = edge_index.shape[1]

    ept = NW * CHUNK
    nch = -(-e // ept)
    if nch % 2:
        nch += 1
    e_pad = nch * ept
    n1 = -(-(n + 2) // (NS * CHUNK)) * (NS * CHUNK)
    d2 = max(LANES, -(-f_out // 8) * 8)

    pads = jnp.stack([jnp.zeros((e_pad - e,), jnp.int32),
                      jnp.full((e_pad - e,), n, jnp.int32)])
    ep = jnp.concatenate([edge_index, pads], axis=1).reshape(2, NW, nch, CHUNK)

    w2p = W2 if d2 == f_out else jnp.pad(W2, ((0, 0), (0, d2 - f_out)))

    deg2 = _sc_degree(ep, n1, nch)
    degt = deg2.T.reshape(n1, NC)

    g1 = _tc_dense1(x, W1, degt, n1, f_in, f_hid)
    acc1 = _sc_aggregate(g1, ep, n1, nch, f_hid // NC, split=True)
    g2 = _tc_dense2(acc1, g1, degt, w2p, n1, f_hid, d2)
    acc2 = _sc_aggregate(g2, ep, n1, nch, d2, split=False)
    return _tc_dense3(acc2, g2, degt, n, n1, d2, f_out)

# --- scband reference (transcript-rebuilt; emitter-appended) ---
"""Pipeline reference for scband-gcn-32495722561552 (READ-ONLY COPY).

The authoritative reference and input builder live on the scoring server;
editing this copy changes nothing except your own understanding.
"""

import jax, jax.numpy as jnp
import numpy as np

N = 10000
E = 320000
F_IN = 128
F_HID = 128
F_OUT = 40


def setup_inputs(seed: int = 0) -> dict:
    key = jax.random.key(seed)
    k1, k2, k3, k4 = jax.random.split(key, 4)
    x = jax.random.normal(k1, (N, F_IN), dtype=jnp.float32)
    edge_index = jax.random.randint(k2, (2, E), 0, N, dtype=jnp.int32)
    # Glorot-uniform initialized GCNConv weights (bias=False in the module)
    lim1 = float(np.sqrt(6.0 / (F_IN + F_HID)))
    lim2 = float(np.sqrt(6.0 / (F_HID + F_OUT)))
    W1 = jax.random.uniform(k3, (F_IN, F_HID), dtype=jnp.float32, minval=-lim1, maxval=lim1)
    W2 = jax.random.uniform(k4, (F_HID, F_OUT), dtype=jnp.float32, minval=-lim2, maxval=lim2)
    return {"x": x, "edge_index": edge_index, "W1": W1, "W2": W2}


def _gcn_norm(edge_index, n_nodes):
    # Symmetric GCN normalization with added self-loops: D^{-1/2} (A + I) D^{-1/2}
    src = edge_index[0]
    dst = edge_index[1]
    loop = jnp.arange(n_nodes, dtype=src.dtype)
    src = jnp.concatenate([src, loop])
    dst = jnp.concatenate([dst, loop])
    deg = jnp.zeros((n_nodes,), jnp.float32).at[dst].add(1.0)
    dinv = jnp.where(deg > 0, 1.0 / jnp.sqrt(deg), 0.0)
    norm = dinv[src] * dinv[dst]
    return src, dst, norm


def _gcn_conv(x, W, src, dst, norm, n_nodes):
    h = x @ W
    msg = norm[:, None] * jnp.take(h, src, axis=0)
    return jnp.zeros((n_nodes, W.shape[1]), x.dtype).at[dst].add(msg)


def reference(x, edge_index, W1, W2):
    # Eval-mode forward of the 2-layer GCN: dropout inactive, type_norm='None' -> identity bn,
    # dropedge=0, corr metrics are side effects that do not change the returned tensor.
    n_nodes = x.shape[0]
    src, dst, norm = _gcn_norm(edge_index, n_nodes)
    h = _gcn_conv(x, W1, src, dst, norm, n_nodes)
    h = jax.nn.relu(h)
    out = _gcn_conv(h, W2, src, dst, norm, n_nodes)
    return out

if __name__ == "__main__":
    import jax
    _d = setup_inputs()
    print(jax.jit(kernel)(*tuple(_d.values())))

</pallas_src>

<mosaic_0001>
#map = affine_map<(d0, d1) -> (0, 0)>
#map1 = affine_map<(d0, d1) -> (0, 0, 0, 0)>
#map2 = affine_map<(d0, d1) -> (0, 0, 0)>
module attributes {stable_mosaic.version = 14 : i64} {
  func.func @k(%arg0: i32, %arg1: i32, %arg2: memref<10240x40xf32, #tpu.memory_space<hbm>>, %arg3: memref<2x32x80x128xi32, #tpu.memory_space<hbm>>, %arg4: memref<2x10240x40xf32, #tpu.memory_space<hbm>>, %arg5: memref<80x128xi32, #tpu.memory_space<vmem>>, %arg6: memref<80x128xi32, #tpu.memory_space<vmem>>, %arg7: memref<128x40xf32, #tpu.memory_space<vmem>>, %arg8: memref<128x40xf32, #tpu.memory_space<vmem>>, %arg9: memref<10240x40xf32, #tpu.memory_space<vmem_shared>>, %arg10: memref<10240x40xf32, #tpu.memory_space<vmem_shared>>, %arg11: memref<!tpu.dma_semaphore, #tpu.memory_space<semaphore_mem>>, %arg12: memref<!tpu.dma_semaphore, #tpu.memory_space<semaphore_mem>>) attributes {dimension_semantics = [#tpu.dimension_semantics<core_parallel>, #tpu.dimension_semantics<subcore_parallel>], iteration_bounds = array<i64: 2, 16>, scalar_prefetch = 0 : i64, scratch_operands = 8 : i64, tpu.core_type = #tpu.core_type<sc_vector_subcore>, window_params = [{transform_indices = #map}, {transform_indices = #map1}, {transform_indices = #map2}]} {
    %mul3A = arith.constant 640 : i32
    %mul3A_0 = arith.muli %arg1, %mul3A : i32
    "tpu.region"() ({
      %run_scoped3A_38 = tpu.sem_alloc : memref<!tpu.dma_semaphore, #tpu.memory_space<semaphore_mem>>
      %dma_start3A_39 = arith.constant 0 : i32
      %dma_start3A_40 = tpu.memref_slice %arg9[%mul3A_0, %dma_start3A_39] : memref<10240x40xf32, #tpu.memory_space<vmem_shared>> -> memref<640x40xf32, #tpu.memory_space<vmem_shared>>
      %dma_start3A_41 = arith.constant 0 : i32
      %dma_start3A_42 = tpu.memref_slice %arg2[%mul3A_0, %dma_start3A_41] : memref<10240x40xf32, #tpu.memory_space<hbm>> -> memref<640x40xf32, #tpu.memory_space<hbm>>
      tpu.enqueue_dma source(%dma_start3A_42 : memref<640x40xf32, #tpu.memory_space<hbm>>) target(%dma_start3A_40 : memref<640x40xf32, #tpu.memory_space<vmem_shared>>) target_semaphore(%run_scoped3A_38 : memref<!tpu.dma_semaphore, #tpu.memory_space<semaphore_mem>>)
      %dma_wait3A = arith.constant 0 : i32
      %dma_wait3A_43 = tpu.memref_slice %arg9[%mul3A_0, %dma_wait3A] : memref<10240x40xf32, #tpu.memory_space<vmem_shared>> -> memref<640x40xf32, #tpu.memory_space<vmem_shared>>
      %dma_wait3A_44 = arith.constant 0 : i32
      %dma_wait3A_45 = tpu.memref_slice %arg2[%mul3A_0, %dma_wait3A_44] : memref<10240x40xf32, #tpu.memory_space<hbm>> -> memref<640x40xf32, #tpu.memory_space<hbm>>
      tpu.wait_dma2 semaphore(%run_scoped3A_38 : memref<!tpu.dma_semaphore, #tpu.memory_space<semaphore_mem>>) src(%dma_wait3A_45 : memref<640x40xf32, #tpu.memory_space<hbm>>) dst(%dma_wait3A_43 : memref<640x40xf32, #tpu.memory_space<vmem_shared>>)
      tpu.yield
    }) : () -> ()
    %scan3A = arith.constant 0 : i32
    %scan3A_1 = arith.constant 128 : i32
    %scan3A_2 = arith.addi %scan3A, %scan3A_1 : i32
    %scan3A_3 = arith.constant 1 : i32
    scf.for %scan3A_38 = %scan3A to %scan3A_2 step %scan3A_3  : i32 {
      %mul3A_39 = arith.constant 1 : i32
      %mul3A_40 = arith.muli %scan3A_38, %mul3A_39 : i32
      %add3A_41 = arith.constant 0 : i32
      %add3A_42 = arith.addi %add3A_41, %mul3A_40 : i32
      %broadcast_in_dim3A = arith.constant 0.000000e+00 : f32
      %broadcast_in_dim3A_43 = vector.broadcast %broadcast_in_dim3A : f32 to vector<16xf32>
      %swap3A = arith.index_cast %add3A_42 : i32 to index
      %swap3A_44 = arith.constant 0 : index
      %swap3A_45 = tpu.vector_load %arg7[%swap3A, %swap3A_44] {strides = array<i32>} : memref<128x40xf32, #tpu.memory_space<vmem>>, vector<1x16xf32>,
      %swap3A_46 = vector.shape_cast %swap3A_45 : vector<1x16xf32> to vector<16xf32>
      %swap3A_47 = vector.shape_cast %broadcast_in_dim3A_43 : vector<16xf32> to vector<1x16xf32>
      tpu.vector_store %arg7[%swap3A, %swap3A_44], %swap3A_47 {strides = array<i32>} : memref<128x40xf32, #tpu.memory_space<vmem>>, vector<1x16xf32>,
      %broadcast_in_dim3A_48 = arith.constant 0.000000e+00 : f32
      %broadcast_in_dim3A_49 = vector.broadcast %broadcast_in_dim3A_48 : f32 to vector<16xf32>
      %swap3A_50 = arith.index_cast %add3A_42 : i32 to index
      %swap3A_51 = arith.constant 16 : index
      %swap3A_52 = tpu.vector_load %arg7[%swap3A_50, %swap3A_51] {strides = array<i32>} : memref<128x40xf32, #tpu.memory_space<vmem>>, vector<1x16xf32>,
      %swap3A_53 = vector.shape_cast %swap3A_52 : vector<1x16xf32> to vector<16xf32>
      %swap3A_54 = vector.shape_cast %broadcast_in_dim3A_49 : vector<16xf32> to vector<1x16xf32>
      tpu.vector_store %arg7[%swap3A_50, %swap3A_51], %swap3A_54 {strides = array<i32>} : memref<128x40xf32, #tpu.memory_space<vmem>>, vector<1x16xf32>,
      %broadcast_in_dim3A_55 = arith.constant 0.000000e+00 : f32
      %broadcast_in_dim3A_56 = vector.broadcast %broadcast_in_dim3A_55 : f32 to vector<16xf32>
      %swap3A_57 = arith.index_cast %add3A_42 : i32 to index
      %swap3A_58 = arith.constant 24 : index
      %swap3A_59 = tpu.vector_load %arg7[%swap3A_57, %swap3A_58] {strides = array<i32>} : memref<128x40xf32, #tpu.memory_space<vmem>>, vector<1x16xf32>,
      %swap3A_60 = vector.shape_cast %swap3A_59 : vector<1x16xf32> to vector<16xf32>
      %swap3A_61 = vector.shape_cast %broadcast_in_dim3A_56 : vector<16xf32> to vector<1x16xf32>
      tpu.vector_store %arg7[%swap3A_57, %swap3A_58], %swap3A_61 {strides = array<i32>} : memref<128x40xf32, #tpu.memory_space<vmem>>, vector<1x16xf32>,
    }
    %scan3A_4 = arith.constant 128 : i32
    %scan3A_5 = arith.constant 0 : i32
    %scan3A_6 = arith.constant 5 : i32
    %scan3A_7 = arith.addi %scan3A_5, %scan3A_6 : i32
    %scan3A_8 = arith.constant 1 : i32
    scf.for %scan3A_38 = %scan3A_5 to %scan3A_7 step %scan3A_8  : i32 {
      %mul3A_39 = arith.constant 1 : i32
      %mul3A_40 = arith.muli %scan3A_38, %mul3A_39 : i32
      %add3A_41 = arith.constant 0 : i32
      %add3A_42 = arith.addi %add3A_41, %mul3A_40 : i32
      %mul3A_43 = arith.constant 128 : i32
      %mul3A_44 = arith.muli %add3A_42, %mul3A_43 : i32
      %add3A_45 = arith.addi %mul3A_0, %mul3A_44 : i32
      "tpu.region"() ({
        %run_scoped3A_46 = tpu.sem_alloc : memref<!tpu.dma_semaphore, #tpu.memory_space<semaphore_mem>>
        %dma_start3A_47 = arith.constant 0 : i32
        %dma_start3A_48 = tpu.memref_slice %arg10[%add3A_45, %dma_start3A_47] : memref<10240x40xf32, #tpu.memory_space<vmem_shared>> -> memref<128x40xf32, #tpu.memory_space<vmem_shared>>
        %dma_start3A_49 = arith.constant 0 : i32
        %dma_start3A_50 = tpu.memref_slice %arg10[%add3A_45, %dma_start3A_49] : memref<10240x40xf32, #tpu.memory_space<vmem_shared>> -> memref<128x40xf32, #tpu.memory_space<vmem_shared>>
        tpu.enqueue_dma source(%arg7 : memref<128x40xf32, #tpu.memory_space<vmem>>) target(%dma_start3A_50 : memref<128x40xf32, #tpu.memory_space<vmem_shared>>) target_semaphore(%run_scoped3A_46 : memref<!tpu.dma_semaphore, #tpu.memory_space<semaphore_mem>>)
        %dma_wait3A = arith.constant 0 : i32
        %dma_wait3A_51 = tpu.memref_slice %arg10[%add3A_45, %dma_wait3A] : memref<10240x40xf32, #tpu.memory_space<vmem_shared>> -> memref<128x40xf32, #tpu.memory_space<vmem_shared>>
        %dma_wait3A_52 = arith.constant 0 : i32
        %dma_wait3A_53 = tpu.memref_slice %arg10[%add3A_45, %dma_wait3A_52] : memref<10240x40xf32, #tpu.memory_space<vmem_shared>> -> memref<128x40xf32, #tpu.memory_space<vmem_shared>>
        tpu.wait_dma2 semaphore(%run_scoped3A_46 : memref<!tpu.dma_semaphore, #tpu.memory_space<semaphore_mem>>) src(%arg7 : memref<128x40xf32, #tpu.memory_space<vmem>>) dst(%dma_wait3A_53 : memref<128x40xf32, #tpu.memory_space<vmem_shared>>)
        tpu.yield
      }) : () -> ()
    }
    %scan3A_9 = arith.constant 5 : i32
    %barrier3A = arith.constant 0 : index
    tpu.barrier barrier_id(%barrier3A)
    %scan3A_10 = arith.constant 0 : i32
    %mul3A_11 = arith.constant 1 : i32
    %mul3A_12 = arith.muli %scan3A_10, %mul3A_11 : i32
    %add3A = arith.constant 0 : i32
    %add3A_13 = arith.addi %add3A, %mul3A_12 : i32
    %mul3A_14 = arith.constant 16 : i32
    %mul3A_15 = arith.muli %arg0, %mul3A_14 : i32
    %add3A_16 = arith.addi %mul3A_15, %arg1 : i32
    %run_scoped3A = arith.constant 0 : i32
    "tpu.region"() ({
      %run_scoped3A_38 = tpu.sem_alloc : memref<!tpu.dma_semaphore, #tpu.memory_space<semaphore_mem>>
      %dma_start3A_39 = arith.constant 0 : i32
      %dma_start3A_40 = arith.constant 0 : i32
      %dma_start3A_41 = tpu.memref_slice %arg3[%run_scoped3A, %add3A_16, %dma_start3A_39, %dma_start3A_40] : memref<2x32x80x128xi32, #tpu.memory_space<hbm>> -> memref<1x1x80x128xi32, #tpu.memory_space<hbm>>
      %dma_start3A_42 = tpu.memref_squeeze %dma_start3A_41 : memref<1x1x80x128xi32, #tpu.memory_space<hbm>> -> memref<80x128xi32, #tpu.memory_space<hbm>>
      %dma_start3A_43 = arith.constant 0 : i32
      %dma_start3A_44 = arith.constant 0 : i32
      %dma_start3A_45 = tpu.memref_slice %arg3[%run_scoped3A, %add3A_16, %dma_start3A_43, %dma_start3A_44] : memref<2x32x80x128xi32, #tpu.memory_space<hbm>> -> memref<1x1x80x128xi32, #tpu.memory_space<hbm>>
      %dma_start3A_46 = tpu.memref_squeeze %dma_start3A_45 : memref<1x1x80x128xi32, #tpu.memory_space<hbm>> -> memref<80x128xi32, #tpu.memory_space<hbm>>
      tpu.enqueue_dma source(%dma_start3A_46 : memref<80x128xi32, #tpu.memory_space<hbm>>) target(%arg5 : memref<80x128xi32, #tpu.memory_space<vmem>>) target_semaphore(%run_scoped3A_38 : memref<!tpu.dma_semaphore, #tpu.memory_space<semaphore_mem>>)
      %dma_wait3A = arith.constant 0 : i32
      %dma_wait3A_47 = arith.constant 0 : i32
      %dma_wait3A_48 = tpu.memref_slice %arg3[%run_scoped3A, %add3A_16, %dma_wait3A, %dma_wait3A_47] : memref<2x32x80x128xi32, #tpu.memory_space<hbm>> -> memref<1x1x80x128xi32, #tpu.memory_space<hbm>>
      %dma_wait3A_49 = tpu.memref_squeeze %dma_wait3A_48 : memref<1x1x80x128xi32, #tpu.memory_space<hbm>> -> memref<80x128xi32, #tpu.memory_space<hbm>>
      %dma_wait3A_50 = arith.constant 0 : i32
      %dma_wait3A_51 = arith.constant 0 : i32
      %dma_wait3A_52 = tpu.memref_slice %arg3[%run_scoped3A, %add3A_16, %dma_wait3A_50, %dma_wait3A_51] : memref<2x32x80x128xi32, #tpu.memory_space<hbm>> -> memref<1x1x80x128xi32, #tpu.memory_space<hbm>>
      %dma_wait3A_53 = tpu.memref_squeeze %dma_wait3A_52 : memref<1x1x80x128xi32, #tpu.memory_space<hbm>> -> memref<80x128xi32, #tpu.memory_space<hbm>>
      tpu.wait_dma2 semaphore(%run_scoped3A_38 : memref<!tpu.dma_semaphore, #tpu.memory_space<semaphore_mem>>) src(%dma_wait3A_53 : memref<80x128xi32, #tpu.memory_space<hbm>>) dst(%arg5 : memref<80x128xi32, #tpu.memory_space<vmem>>)
      tpu.yield
    }) : () -> ()
    %run_scoped3A_17 = arith.constant 1 : i32
    "tpu.region"() ({
      %run_scoped3A_38 = tpu.sem_alloc : memref<!tpu.dma_semaphore, #tpu.memory_space<semaphore_mem>>
      %dma_start3A_39 = arith.constant 0 : i32
      %dma_start3A_40 = arith.constant 0 : i32
      %dma_start3A_41 = tpu.memref_slice %arg3[%run_scoped3A_17, %add3A_16, %dma_start3A_39, %dma_start3A_40] : memref<2x32x80x128xi32, #tpu.memory_space<hbm>> -> memref<1x1x80x128xi32, #tpu.memory_space<hbm>>
      %dma_start3A_42 = tpu.memref_squeeze %dma_start3A_41 : memref<1x1x80x128xi32, #tpu.memory_space<hbm>> -> memref<80x128xi32, #tpu.memory_space<hbm>>
      %dma_start3A_43 = arith.constant 0 : i32
      %dma_start3A_44 = arith.constant 0 : i32
      %dma_start3A_45 = tpu.memref_slice %arg3[%run_scoped3A_17, %add3A_16, %dma_start3A_43, %dma_start3A_44] : memref<2x32x80x128xi32, #tpu.memory_space<hbm>> -> memref<1x1x80x128xi32, #tpu.memory_space<hbm>>
      %dma_start3A_46 = tpu.memref_squeeze %dma_start3A_45 : memref<1x1x80x128xi32, #tpu.memory_space<hbm>> -> memref<80x128xi32, #tpu.memory_space<hbm>>
      tpu.enqueue_dma source(%dma_start3A_46 : memref<80x128xi32, #tpu.memory_space<hbm>>) target(%arg6 : memref<80x128xi32, #tpu.memory_space<vmem>>) target_semaphore(%run_scoped3A_38 : memref<!tpu.dma_semaphore, #tpu.memory_space<semaphore_mem>>)
      %dma_wait3A = arith.constant 0 : i32
      %dma_wait3A_47 = arith.constant 0 : i32
      %dma_wait3A_48 = tpu.memref_slice %arg3[%run_scoped3A_17, %add3A_16, %dma_wait3A, %dma_wait3A_47] : memref<2x32x80x128xi32, #tpu.memory_space<hbm>> -> memref<1x1x80x128xi32, #tpu.memory_space<hbm>>
      %dma_wait3A_49 = tpu.memref_squeeze %dma_wait3A_48 : memref<1x1x80x128xi32, #tpu.memory_space<hbm>> -> memref<80x128xi32, #tpu.memory_space<hbm>>
      %dma_wait3A_50 = arith.constant 0 : i32
      %dma_wait3A_51 = arith.constant 0 : i32
      %dma_wait3A_52 = tpu.memref_slice %arg3[%run_scoped3A_17, %add3A_16, %dma_wait3A_50, %dma_wait3A_51] : memref<2x32x80x128xi32, #tpu.memory_space<hbm>> -> memref<1x1x80x128xi32, #tpu.memory_space<hbm>>
      %dma_wait3A_53 = tpu.memref_squeeze %dma_wait3A_52 : memref<1x1x80x128xi32, #tpu.memory_space<hbm>> -> memref<80x128xi32, #tpu.memory_space<hbm>>
      tpu.wait_dma2 semaphore(%run_scoped3A_38 : memref<!tpu.dma_semaphore, #tpu.memory_space<semaphore_mem>>) src(%dma_wait3A_53 : memref<80x128xi32, #tpu.memory_space<hbm>>) dst(%arg6 : memref<80x128xi32, #tpu.memory_space<vmem>>)
      tpu.yield
    }) : () -> ()
    %dma_start3A = arith.constant 0 : i32
    %dma_start3A_18 = arith.constant 0 : i32
    %dma_start3A_19 = tpu.memref_slice %arg5[%dma_start3A, %dma_start3A_18] : memref<80x128xi32, #tpu.memory_space<vmem>> -> memref<1x128xi32, #tpu.memory_space<vmem>>
    %dma_start3A_20 = tpu.memref_squeeze %dma_start3A_19 : memref<1x128xi32, #tpu.memory_space<vmem>> -> memref<128xi32, #tpu.memory_space<vmem>>
    %dma_start3A_21 = arith.constant 0 : i32
    %dma_start3A_22 = arith.constant 0 : i32
    %dma_start3A_23 = tpu.memref_slice %arg9[%dma_start3A_21, %dma_start3A_22] : memref<10240x40xf32, #tpu.memory_space<vmem_shared>> -> memref<10240x40xf32, #tpu.memory_space<vmem_shared>>
    tpu.enqueue_indirect_dma source(%dma_start3A_23 : memref<10240x40xf32, #tpu.memory_space<vmem_shared>>) target(%arg7 : memref<128x40xf32, #tpu.memory_space<vmem>>) offsets(%dma_start3A_20 : memref<128xi32, #tpu.memory_space<vmem>>) semaphore(%arg11 : memref<!tpu.dma_semaphore, #tpu.memory_space<semaphore_mem>>)
    %dma_start3A_24 = arith.constant 1 : i32
    %dma_start3A_25 = arith.constant 0 : i32
    %dma_start3A_26 = tpu.memref_slice %arg5[%dma_start3A_24, %dma_start3A_25] : memref<80x128xi32, #tpu.memory_space<vmem>> -> memref<1x128xi32, #tpu.memory_space<vmem>>
    %dma_start3A_27 = tpu.memref_squeeze %dma_start3A_26 : memref<1x128xi32, #tpu.memory_space<vmem>> -> memref<128xi32, #tpu.memory_space<vmem>>
    %dma_start3A_28 = arith.constant 0 : i32
    %dma_start3A_29 = arith.constant 0 : i32
    %dma_start3A_30 = tpu.memref_slice %arg9[%dma_start3A_28, %dma_start3A_29] : memref<10240x40xf32, #tpu.memory_space<vmem_shared>> -> memref<10240x40xf32, #tpu.memory_space<vmem_shared>>
    tpu.enqueue_indirect_dma source(%dma_start3A_30 : memref<10240x40xf32, #tpu.memory_space<vmem_shared>>) target(%arg8 : memref<128x40xf32, #tpu.memory_space<vmem>>) offsets(%dma_start3A_27 : memref<128xi32, #tpu.memory_space<vmem>>) semaphore(%arg12 : memref<!tpu.dma_semaphore, #tpu.memory_space<semaphore_mem>>)
    %scan3A_31 = arith.constant 0 : i32
    %scan3A_32 = arith.constant 40 : i32
    %scan3A_33 = arith.addi %scan3A_31, %scan3A_32 : i32
    %scan3A_34 = arith.constant 1 : i32
    scf.for %scan3A_38 = %scan3A_31 to %scan3A_33 step %scan3A_34  : i32 {
      %mul3A_39 = arith.constant 2 : i32
      %mul3A_40 = arith.muli %scan3A_38, %mul3A_39 : i32
      %add3A_41 = arith.constant 0 : i32
      %add3A_42 = arith.addi %add3A_41, %mul3A_40 : i32
      %dma_wait3A = arith.constant 0 : i32
      %dma_wait3A_43 = tpu.memref_slice %arg5[%add3A_42, %dma_wait3A] : memref<80x128xi32, #tpu.memory_space<vmem>> -> memref<1x128xi32, #tpu.memory_space<vmem>>
      %dma_wait3A_44 = tpu.memref_squeeze %dma_wait3A_43 : memref<1x128xi32, #tpu.memory_space<vmem>> -> memref<128xi32, #tpu.memory_space<vmem>>
      %dma_wait3A_45 = arith.constant 0 : i32
      %dma_wait3A_46 = arith.constant 0 : i32
      %dma_wait3A_47 = tpu.memref_slice %arg9[%dma_wait3A_45, %dma_wait3A_46] : memref<10240x40xf32, #tpu.memory_space<vmem_shared>> -> memref<10240x40xf32, #tpu.memory_space<vmem_shared>>
      tpu.wait_indirect_dma semaphore(%arg11 : memref<!tpu.dma_semaphore, #tpu.memory_space<semaphore_mem>>) src(%dma_wait3A_47 : memref<10240x40xf32, #tpu.memory_space<vmem_shared>>) dst(%arg7 : memref<128x40xf32, #tpu.memory_space<vmem>>)
      "tpu.region"() ({
        %run_scoped3A_69 = tpu.sem_alloc : memref<!tpu.dma_semaphore, #tpu.memory_space<semaphore_mem>>
        %dma_start3A_70 = arith.constant 0 : i32
        %dma_start3A_71 = tpu.memref_slice %arg6[%add3A_42, %dma_start3A_70] : memref<80x128xi32, #tpu.memory_space<vmem>> -> memref<1x128xi32, #tpu.memory_space<vmem>>
        %dma_start3A_72 = tpu.memref_squeeze %dma_start3A_71 : memref<1x128xi32, #tpu.memory_space<vmem>> -> memref<128xi32, #tpu.memory_space<vmem>>
        %dma_start3A_73 = arith.constant 0 : i32
        %dma_start3A_74 = arith.constant 0 : i32
        %dma_start3A_75 = tpu.memref_slice %arg10[%dma_start3A_73, %dma_start3A_74] : memref<10240x40xf32, #tpu.memory_space<vmem_shared>> -> memref<10240x40xf32, #tpu.memory_space<vmem_shared>>
        tpu.enqueue_indirect_dma source(%arg7 : memref<128x40xf32, #tpu.memory_space<vmem>>) target(%dma_start3A_75 : memref<10240x40xf32, #tpu.memory_space<vmem_shared>>) offsets(%dma_start3A_72 : memref<128xi32, #tpu.memory_space<vmem>>) semaphore(%run_scoped3A_69 : memref<!tpu.dma_semaphore, #tpu.memory_space<semaphore_mem>>) {add = true}
        %dma_wait3A_76 = arith.constant 0 : i32
        %dma_wait3A_77 = tpu.memref_slice %arg6[%add3A_42, %dma_wait3A_76] : memref<80x128xi32, #tpu.memory_space<vmem>> -> memref<1x128xi32, #tpu.memory_space<vmem>>
        %dma_wait3A_78 = tpu.memref_squeeze %dma_wait3A_77 : memref<1x128xi32, #tpu.memory_space<vmem>> -> memref<128xi32, #tpu.memory_space<vmem>>
        %dma_wait3A_79 = arith.constant 0 : i32
        %dma_wait3A_80 = arith.constant 0 : i32
        %dma_wait3A_81 = tpu.memref_slice %arg10[%dma_wait3A_79, %dma_wait3A_80] : memref<10240x40xf32, #tpu.memory_space<vmem_shared>> -> memref<10240x40xf32, #tpu.memory_space<vmem_shared>>
        tpu.wait_indirect_dma semaphore(%run_scoped3A_69 : memref<!tpu.dma_semaphore, #tpu.memory_space<semaphore_mem>>) src(%arg7 : memref<128x40xf32, #tpu.memory_space<vmem>>) dst(%dma_wait3A_81 : memref<10240x40xf32, #tpu.memory_space<vmem_shared>>)
        tpu.yield
      }) : () -> ()
      %add3A_48 = arith.constant 2 : i32
      %add3A_49 = arith.addi %add3A_42, %add3A_48 : i32
      %lt3A = arith.constant 80 : i32
      %lt3A_50 = arith.cmpi slt, %add3A_49, %lt3A : i32
      %convert_element_type3A = arith.extui %lt3A_50 : i1 to i32
      %cond3A = arith.constant 0 : i32
      %cond3A_51 = arith.cmpi ne, %convert_element_type3A, %cond3A : i32
      scf.if %cond3A_51 {
        %add3A_69 = arith.constant 2 : i32
        %add3A_70 = arith.addi %add3A_42, %add3A_69 : i32
        %dma_start3A_71 = arith.constant 0 : i32
        %dma_start3A_72 = tpu.memref_slice %arg5[%add3A_70, %dma_start3A_71] : memref<80x128xi32, #tpu.memory_space<vmem>> -> memref<1x128xi32, #tpu.memory_space<vmem>>
        %dma_start3A_73 = tpu.memref_squeeze %dma_start3A_72 : memref<1x128xi32, #tpu.memory_space<vmem>> -> memref<128xi32, #tpu.memory_space<vmem>>
        %dma_start3A_74 = arith.constant 0 : i32
        %dma_start3A_75 = arith.constant 0 : i32
        %dma_start3A_76 = tpu.memref_slice %arg9[%dma_start3A_74, %dma_start3A_75] : memref<10240x40xf32, #tpu.memory_space<vmem_shared>> -> memref<10240x40xf32, #tpu.memory_space<vmem_shared>>
        tpu.enqueue_indirect_dma source(%dma_start3A_76 : memref<10240x40xf32, #tpu.memory_space<vmem_shared>>) target(%arg7 : memref<128x40xf32, #tpu.memory_space<vmem>>) offsets(%dma_start3A_73 : memref<128xi32, #tpu.memory_space<vmem>>) semaphore(%arg11 : memref<!tpu.dma_semaphore, #tpu.memory_space<semaphore_mem>>)
      } else {
      }
      %add3A_52 = arith.constant 1 : i32
      %add3A_53 = arith.addi %add3A_42, %add3A_52 : i32
      %dma_wait3A_54 = arith.constant 0 : i32
      %dma_wait3A_55 = tpu.memref_slice %arg5[%add3A_53, %dma_wait3A_54] : memref<80x128xi32, #tpu.memory_space<vmem>> -> memref<1x128xi32, #tpu.memory_space<vmem>>
      %dma_wait3A_56 = tpu.memref_squeeze %dma_wait3A_55 : memref<1x128xi32, #tpu.memory_space<vmem>> -> memref<128xi32, #tpu.memory_space<vmem>>
      %dma_wait3A_57 = arith.constant 0 : i32
      %dma_wait3A_58 = arith.constant 0 : i32
      %dma_wait3A_59 = tpu.memref_slice %arg9[%dma_wait3A_57, %dma_wait3A_58] : memref<10240x40xf32, #tpu.memory_space<vmem_shared>> -> memref<10240x40xf32, #tpu.memory_space<vmem_shared>>
      tpu.wait_indirect_dma semaphore(%arg12 : memref<!tpu.dma_semaphore, #tpu.memory_space<semaphore_mem>>) src(%dma_wait3A_59 : memref<10240x40xf32, #tpu.memory_space<vmem_shared>>) dst(%arg8 : memref<128x40xf32, #tpu.memory_space<vmem>>)
      %add3A_60 = arith.constant 1 : i32
      %add3A_61 = arith.addi %add3A_42, %add3A_60 : i32
      "tpu.region"() ({
        %run_scoped3A_69 = tpu.sem_alloc : memref<!tpu.dma_semaphore, #tpu.memory_space<semaphore_mem>>
        %dma_start3A_70 = arith.constant 0 : i32
        %dma_start3A_71 = tpu.memref_slice %arg6[%add3A_61, %dma_start3A_70] : memref<80x128xi32, #tpu.memory_space<vmem>> -> memref<1x128xi32, #tpu.memory_space<vmem>>
        %dma_start3A_72 = tpu.memref_squeeze %dma_start3A_71 : memref<1x128xi32, #tpu.memory_space<vmem>> -> memref<128xi32, #tpu.memory_space<vmem>>
        %dma_start3A_73 = arith.constant 0 : i32
        %dma_start3A_74 = arith.constant 0 : i32
        %dma_start3A_75 = tpu.memref_slice %arg10[%dma_start3A_73, %dma_start3A_74] : memref<10240x40xf32, #tpu.memory_space<vmem_shared>> -> memref<10240x40xf32, #tpu.memory_space<vmem_shared>>
        tpu.enqueue_indirect_dma source(%arg8 : memref<128x40xf32, #tpu.memory_space<vmem>>) target(%dma_start3A_75 : memref<10240x40xf32, #tpu.memory_space<vmem_shared>>) offsets(%dma_start3A_72 : memref<128xi32, #tpu.memory_space<vmem>>) semaphore(%run_scoped3A_69 : memref<!tpu.dma_semaphore, #tpu.memory_space<semaphore_mem>>) {add = true}
        %dma_wait3A_76 = arith.constant 0 : i32
        %dma_wait3A_77 = tpu.memref_slice %arg6[%add3A_61, %dma_wait3A_76] : memref<80x128xi32, #tpu.memory_space<vmem>> -> memref<1x128xi32, #tpu.memory_space<vmem>>
        %dma_wait3A_78 = tpu.memref_squeeze %dma_wait3A_77 : memref<1x128xi32, #tpu.memory_space<vmem>> -> memref<128xi32, #tpu.memory_space<vmem>>
        %dma_wait3A_79 = arith.constant 0 : i32
        %dma_wait3A_80 = arith.constant 0 : i32
        %dma_wait3A_81 = tpu.memref_slice %arg10[%dma_wait3A_79, %dma_wait3A_80] : memref<10240x40xf32, #tpu.memory_space<vmem_shared>> -> memref<10240x40xf32, #tpu.memory_space<vmem_shared>>
        tpu.wait_indirect_dma semaphore(%run_scoped3A_69 : memref<!tpu.dma_semaphore, #tpu.memory_space<semaphore_mem>>) src(%arg8 : memref<128x40xf32, #tpu.memory_space<vmem>>) dst(%dma_wait3A_81 : memref<10240x40xf32, #tpu.memory_space<vmem_shared>>)
        tpu.yield
      }) : () -> ()
      %add3A_62 = arith.constant 3 : i32
      %add3A_63 = arith.addi %add3A_42, %add3A_62 : i32
      %lt3A_64 = arith.constant 80 : i32
      %lt3A_65 = arith.cmpi slt, %add3A_63, %lt3A_64 : i32
      %convert_element_type3A_66 = arith.extui %lt3A_65 : i1 to i32
      %cond3A_67 = arith.constant 0 : i32
      %cond3A_68 = arith.cmpi ne, %convert_element_type3A_66, %cond3A_67 : i32
      scf.if %cond3A_68 {
        %add3A_69 = arith.constant 3 : i32
        %add3A_70 = arith.addi %add3A_42, %add3A_69 : i32
        %dma_start3A_71 = arith.constant 0 : i32
        %dma_start3A_72 = tpu.memref_slice %arg5[%add3A_70, %dma_start3A_71] : memref<80x128xi32, #tpu.memory_space<vmem>> -> memref<1x128xi32, #tpu.memory_space<vmem>>
        %dma_start3A_73 = tpu.memref_squeeze %dma_start3A_72 : memref<1x128xi32, #tpu.memory_space<vmem>> -> memref<128xi32, #tpu.memory_space<vmem>>
        %dma_start3A_74 = arith.constant 0 : i32
        %dma_start3A_75 = arith.constant 0 : i32
        %dma_start3A_76 = tpu.memref_slice %arg9[%dma_start3A_74, %dma_start3A_75] : memref<10240x40xf32, #tpu.memory_space<vmem_shared>> -> memref<10240x40xf32, #tpu.memory_space<vmem_shared>>
        tpu.enqueue_indirect_dma source(%dma_start3A_76 : memref<10240x40xf32, #tpu.memory_space<vmem_shared>>) target(%arg8 : memref<128x40xf32, #tpu.memory_space<vmem>>) offsets(%dma_start3A_73 : memref<128xi32, #tpu.memory_space<vmem>>) semaphore(%arg12 : memref<!tpu.dma_semaphore, #tpu.memory_space<semaphore_mem>>)
      } else {
      }
    }
    %scan3A_35 = arith.constant 40 : i32
    %scan3A_36 = arith.constant 1 : i32
    %barrier3A_37 = arith.constant 0 : index
    tpu.barrier barrier_id(%barrier3A_37)
    "tpu.region"() ({
      %run_scoped3A_38 = tpu.sem_alloc : memref<!tpu.dma_semaphore, #tpu.memory_space<semaphore_mem>>
      %dma_start3A_39 = arith.constant 0 : i32
      %dma_start3A_40 = tpu.memref_slice %arg4[%arg0, %mul3A_0, %dma_start3A_39] : memref<2x10240x40xf32, #tpu.memory_space<hbm>> -> memref<1x640x40xf32, #tpu.memory_space<hbm>>
      %dma_start3A_41 = tpu.memref_squeeze %dma_start3A_40 : memref<1x640x40xf32, #tpu.memory_space<hbm>> -> memref<640x40xf32, #tpu.memory_space<hbm>>
      %dma_start3A_42 = arith.constant 0 : i32
      %dma_start3A_43 = tpu.memref_slice %arg10[%mul3A_0, %dma_start3A_42] : memref<10240x40xf32, #tpu.memory_space<vmem_shared>> -> memref<640x40xf32, #tpu.memory_space<vmem_shared>>
      tpu.enqueue_dma source(%dma_start3A_43 : memref<640x40xf32, #tpu.memory_space<vmem_shared>>) target(%dma_start3A_41 : memref<640x40xf32, #tpu.memory_space<hbm>>) target_semaphore(%run_scoped3A_38 : memref<!tpu.dma_semaphore, #tpu.memory_space<semaphore_mem>>)
      %dma_wait3A = arith.constant 0 : i32
      %dma_wait3A_44 = tpu.memref_slice %arg4[%arg0, %mul3A_0, %dma_wait3A] : memref<2x10240x40xf32, #tpu.memory_space<hbm>> -> memref<1x640x40xf32, #tpu.memory_space<hbm>>
      %dma_wait3A_45 = tpu.memref_squeeze %dma_wait3A_44 : memref<1x640x40xf32, #tpu.memory_space<hbm>> -> memref<640x40xf32, #tpu.memory_space<hbm>>
      %dma_wait3A_46 = arith.constant 0 : i32
      %dma_wait3A_47 = tpu.memref_slice %arg10[%mul3A_0, %dma_wait3A_46] : memref<10240x40xf32, #tpu.memory_space<vmem_shared>> -> memref<640x40xf32, #tpu.memory_space<vmem_shared>>
      tpu.wait_dma2 semaphore(%run_scoped3A_38 : memref<!tpu.dma_semaphore, #tpu.memory_space<semaphore_mem>>) src(%dma_wait3A_47 : memref<640x40xf32, #tpu.memory_space<vmem_shared>>) dst(%dma_wait3A_45 : memref<640x40xf32, #tpu.memory_space<hbm>>)
      tpu.yield
    }) : () -> ()
    return
  }
}

#map = affine_map<(d0, d1) -> (0, 0, 0, 0)>
#map1 = affine_map<(d0, d1) -> (0, 0)>
module attributes {stable_mosaic.version = 14 : i64} {
  func.func @k(%arg0: i32, %arg1: i32, %arg2: memref<2x32x80x128xi32, #tpu.memory_space<hbm>>, %arg3: memref<2x10240xf32, #tpu.memory_space<hbm>>, %arg4: memref<80x128xi32, #tpu.memory_space<vmem>>, %arg5: memref<128xf32, #tpu.memory_space<vmem>>, %arg6: memref<640xf32, #tpu.memory_space<vmem>>, %arg7: memref<10240xf32, #tpu.memory_space<vmem_shared>>) attributes {dimension_semantics = [#tpu.dimension_semantics<core_parallel>, #tpu.dimension_semantics<subcore_parallel>], iteration_bounds = array<i64: 2, 16>, scalar_prefetch = 0 : i64, scratch_operands = 4 : i64, tpu.core_type = #tpu.core_type<sc_vector_subcore>, window_params = [{transform_indices = #map}, {transform_indices = #map1}]} {
    %mul3A = arith.constant 16 : i32
    %mul3A_0 = arith.muli %arg0, %mul3A : i32
    %add3A = arith.addi %mul3A_0, %arg1 : i32
    %scan3A = arith.constant 0 : i32
    %scan3A_1 = arith.constant 8 : i32
    %scan3A_2 = arith.addi %scan3A, %scan3A_1 : i32
    %scan3A_3 = arith.constant 1 : i32
    scf.for %scan3A_22 = %scan3A to %scan3A_2 step %scan3A_3  : i32 {
      %mul3A_23 = arith.constant 1 : i32
      %mul3A_24 = arith.muli %scan3A_22, %mul3A_23 : i32
      %add3A_25 = arith.constant 0 : i32
      %add3A_26 = arith.addi %add3A_25, %mul3A_24 : i32
      %broadcast_in_dim3A = arith.constant 1.000000e+00 : f32
      %broadcast_in_dim3A_27 = vector.broadcast %broadcast_in_dim3A : f32 to vector<16xf32>
      %mul3A_28 = arith.constant 16 : i32
      %mul3A_29 = arith.muli %add3A_26, %mul3A_28 : i32
      %swap3A = arith.index_cast %mul3A_29 : i32 to index
      %swap3A_30 = tpu.vector_load %arg5[%swap3A] {strides = array<i32>} : memref<128xf32, #tpu.memory_space<vmem>>, vector<16xf32>,
      %swap3A_31 = vector.shape_cast %swap3A_30 : vector<16xf32> to vector<16xf32>
      %swap3A_32 = vector.shape_cast %broadcast_in_dim3A_27 : vector<16xf32> to vector<16xf32>
      tpu.vector_store %arg5[%swap3A], %swap3A_32 {strides = array<i32>} : memref<128xf32, #tpu.memory_space<vmem>>, vector<16xf32>,
    }
    %scan3A_4 = arith.constant 8 : i32
    %scan3A_5 = arith.constant 0 : i32
    %scan3A_6 = arith.constant 40 : i32
    %scan3A_7 = arith.addi %scan3A_5, %scan3A_6 : i32
    %scan3A_8 = arith.constant 1 : i32
    scf.for %scan3A_22 = %scan3A_5 to %scan3A_7 step %scan3A_8  : i32 {
      %mul3A_23 = arith.constant 1 : i32
      %mul3A_24 = arith.muli %scan3A_22, %mul3A_23 : i32
      %add3A_25 = arith.constant 0 : i32
      %add3A_26 = arith.addi %add3A_25, %mul3A_24 : i32
      %broadcast_in_dim3A = arith.constant 0.000000e+00 : f32
      %broadcast_in_dim3A_27 = vector.broadcast %broadcast_in_dim3A : f32 to vector<16xf32>
      %mul3A_28 = arith.constant 16 : i32
      %mul3A_29 = arith.muli %add3A_26, %mul3A_28 : i32
      %swap3A = arith.index_cast %mul3A_29 : i32 to index
      %swap3A_30 = tpu.vector_load %arg6[%swap3A] {strides = array<i32>} : memref<640xf32, #tpu.memory_space<vmem>>, vector<16xf32>,
      %swap3A_31 = vector.shape_cast %swap3A_30 : vector<16xf32> to vector<16xf32>
      %swap3A_32 = vector.shape_cast %broadcast_in_dim3A_27 : vector<16xf32> to vector<16xf32>
      tpu.vector_store %arg6[%swap3A], %swap3A_32 {strides = array<i32>} : memref<640xf32, #tpu.memory_space<vmem>>, vector<16xf32>,
    }
    %scan3A_9 = arith.constant 40 : i32
    %mul3A_10 = arith.constant 640 : i32
    %mul3A_11 = arith.muli %arg1, %mul3A_10 : i32
    "tpu.region"() ({
      %run_scoped3A_22 = tpu.sem_alloc : memref<!tpu.dma_semaphore, #tpu.memory_space<semaphore_mem>>
      %dma_start3A = tpu.memref_slice %arg7[%mul3A_11] : memref<10240xf32, #tpu.memory_space<vmem_shared>> -> memref<640xf32, #tpu.memory_space<vmem_shared>>
      %dma_start3A_23 = tpu.memref_slice %arg7[%mul3A_11] : memref<10240xf32, #tpu.memory_space<vmem_shared>> -> memref<640xf32, #tpu.memory_space<vmem_shared>>
      tpu.enqueue_dma source(%arg6 : memref<640xf32, #tpu.memory_space<vmem>>) target(%dma_start3A_23 : memref<640xf32, #tpu.memory_space<vmem_shared>>) target_semaphore(%run_scoped3A_22 : memref<!tpu.dma_semaphore, #tpu.memory_space<semaphore_mem>>)
      %dma_wait3A = tpu.memref_slice %arg7[%mul3A_11] : memref<10240xf32, #tpu.memory_space<vmem_shared>> -> memref<640xf32, #tpu.memory_space<vmem_shared>>
      %dma_wait3A_24 = tpu.memref_slice %arg7[%mul3A_11] : memref<10240xf32, #tpu.memory_space<vmem_shared>> -> memref<640xf32, #tpu.memory_space<vmem_shared>>
      tpu.wait_dma2 semaphore(%run_scoped3A_22 : memref<!tpu.dma_semaphore, #tpu.memory_space<semaphore_mem>>) src(%arg6 : memref<640xf32, #tpu.memory_space<vmem>>) dst(%dma_wait3A_24 : memref<640xf32, #tpu.memory_space<vmem_shared>>)
      tpu.yield
    }) : () -> ()
    %run_scoped3A = arith.constant 1 : i32
    "tpu.region"() ({
      %run_scoped3A_22 = tpu.sem_alloc : memref<!tpu.dma_semaphore, #tpu.memory_space<semaphore_mem>>
      %dma_start3A = arith.constant 0 : i32
      %dma_start3A_23 = arith.constant 0 : i32
      %dma_start3A_24 = tpu.memref_slice %arg2[%run_scoped3A, %add3A, %dma_start3A, %dma_start3A_23] : memref<2x32x80x128xi32, #tpu.memory_space<hbm>> -> memref<1x1x80x128xi32, #tpu.memory_space<hbm>>
      %dma_start3A_25 = tpu.memref_squeeze %dma_start3A_24 : memref<1x1x80x128xi32, #tpu.memory_space<hbm>> -> memref<80x128xi32, #tpu.memory_space<hbm>>
      %dma_start3A_26 = arith.constant 0 : i32
      %dma_start3A_27 = arith.constant 0 : i32
      %dma_start3A_28 = tpu.memref_slice %arg2[%run_scoped3A, %add3A, %dma_start3A_26, %dma_start3A_27] : memref<2x32x80x128xi32, #tpu.memory_space<hbm>> -> memref<1x1x80x128xi32, #tpu.memory_space<hbm>>
      %dma_start3A_29 = tpu.memref_squeeze %dma_start3A_28 : memref<1x1x80x128xi32, #tpu.memory_space<hbm>> -> memref<80x128xi32, #tpu.memory_space<hbm>>
      tpu.enqueue_dma source(%dma_start3A_29 : memref<80x128xi32, #tpu.memory_space<hbm>>) target(%arg4 : memref<80x128xi32, #tpu.memory_space<vmem>>) target_semaphore(%run_scoped3A_22 : memref<!tpu.dma_semaphore, #tpu.memory_space<semaphore_mem>>)
      %dma_wait3A = arith.constant 0 : i32
      %dma_wait3A_30 = arith.constant 0 : i32
      %dma_wait3A_31 = tpu.memref_slice %arg2[%run_scoped3A, %add3A, %dma_wait3A, %dma_wait3A_30] : memref<2x32x80x128xi32, #tpu.memory_space<hbm>> -> memref<1x1x80x128xi32, #tpu.memory_space<hbm>>
      %dma_wait3A_32 = tpu.memref_squeeze %dma_wait3A_31 : memref<1x1x80x128xi32, #tpu.memory_space<hbm>> -> memref<80x128xi32, #tpu.memory_space<hbm>>
      %dma_wait3A_33 = arith.constant 0 : i32
      %dma_wait3A_34 = arith.constant 0 : i32
      %dma_wait3A_35 = tpu.memref_slice %arg2[%run_scoped3A, %add3A, %dma_wait3A_33, %dma_wait3A_34] : memref<2x32x80x128xi32, #tpu.memory_space<hbm>> -> memref<1x1x80x128xi32, #tpu.memory_space<hbm>>
      %dma_wait3A_36 = tpu.memref_squeeze %dma_wait3A_35 : memref<1x1x80x128xi32, #tpu.memory_space<hbm>> -> memref<80x128xi32, #tpu.memory_space<hbm>>
      tpu.wait_dma2 semaphore(%run_scoped3A_22 : memref<!tpu.dma_semaphore, #tpu.memory_space<semaphore_mem>>) src(%dma_wait3A_36 : memref<80x128xi32, #tpu.memory_space<hbm>>) dst(%arg4 : memref<80x128xi32, #tpu.memory_space<vmem>>)
      tpu.yield
    }) : () -> ()
    %barrier3A = arith.constant 0 : index
    tpu.barrier barrier_id(%barrier3A)
    %scan3A_12 = arith.constant 0 : i32
    %scan3A_13 = arith.constant 80 : i32
    %scan3A_14 = arith.addi %scan3A_12, %scan3A_13 : i32
    %scan3A_15 = arith.constant 1 : i32
    scf.for %scan3A_22 = %scan3A_12 to %scan3A_14 step %scan3A_15  : i32 {
      %mul3A_23 = arith.constant 1 : i32
      %mul3A_24 = arith.muli %scan3A_22, %mul3A_23 : i32
      %add3A_25 = arith.constant 0 : i32
      %add3A_26 = arith.addi %add3A_25, %mul3A_24 : i32
      "tpu.region"() ({
        %run_scoped3A_27 = tpu.sem_alloc : memref<!tpu.dma_semaphore, #tpu.memory_space<semaphore_mem>>
        %dma_start3A = arith.constant 0 : i32
        %dma_start3A_28 = tpu.memref_slice %arg4[%add3A_26, %dma_start3A] : memref<80x128xi32, #tpu.memory_space<vmem>> -> memref<1x128xi32, #tpu.memory_space<vmem>>
        %dma_start3A_29 = tpu.memref_squeeze %dma_start3A_28 : memref<1x128xi32, #tpu.memory_space<vmem>> -> memref<128xi32, #tpu.memory_space<vmem>>
        %dma_start3A_30 = arith.constant 0 : i32
        %dma_start3A_31 = tpu.memref_slice %arg7[%dma_start3A_30] : memref<10240xf32, #tpu.memory_space<vmem_shared>> -> memref<10240xf32, #tpu.memory_space<vmem_shared>>
        tpu.enqueue_indirect_dma source(%arg5 : memref<128xf32, #tpu.memory_space<vmem>>) target(%dma_start3A_31 : memref<10240xf32, #tpu.memory_space<vmem_shared>>) offsets(%dma_start3A_29 : memref<128xi32, #tpu.memory_space<vmem>>) semaphore(%run_scoped3A_27 : memref<!tpu.dma_semaphore, #tpu.memory_space<semaphore_mem>>) {add = true}
        %dma_wait3A = arith.constant 0 : i32
        %dma_wait3A_32 = tpu.memref_slice %arg4[%add3A_26, %dma_wait3A] : memref<80x128xi32, #tpu.memory_space<vmem>> -> memref<1x128xi32, #tpu.memory_space<vmem>>
        %dma_wait3A_33 = tpu.memref_squeeze %dma_wait3A_32 : memref<1x128xi32, #tpu.memory_space<vmem>> -> memref<128xi32, #tpu.memory_space<vmem>>
        %dma_wait3A_34 = arith.constant 0 : i32
        %dma_wait3A_35 = tpu.memref_slice %arg7[%dma_wait3A_34] : memref<10240xf32, #tpu.memory_space<vmem_shared>> -> memref<10240xf32, #tpu.memory_space<vmem_shared>>
        tpu.wait_indirect_dma semaphore(%run_scoped3A_27 : memref<!tpu.dma_semaphore, #tpu.memory_space<semaphore_mem>>) src(%arg5 : memref<128xf32, #tpu.memory_space<vmem>>) dst(%dma_wait3A_35 : memref<10240xf32, #tpu.memory_space<vmem_shared>>)
        tpu.yield
      }) : () -> ()
    }
    %scan3A_16 = arith.constant 80 : i32
    %barrier3A_17 = arith.constant 0 : index
    tpu.barrier barrier_id(%barrier3A_17)
    %mul3A_18 = arith.constant 640 : i32
    %mul3A_19 = arith.muli %arg1, %mul3A_18 : i32
    "tpu.region"() ({
      %run_scoped3A_22 = tpu.sem_alloc : memref<!tpu.dma_semaphore, #tpu.memory_space<semaphore_mem>>
      %dma_start3A = tpu.memref_slice %arg7[%mul3A_19] : memref<10240xf32, #tpu.memory_space<vmem_shared>> -> memref<640xf32, #tpu.memory_space<vmem_shared>>
      %dma_start3A_23 = tpu.memref_slice %arg7[%mul3A_19] : memref<10240xf32, #tpu.memory_space<vmem_shared>> -> memref<640xf32, #tpu.memory_space<vmem_shared>>
      tpu.enqueue_dma source(%dma_start3A_23 : memref<640xf32, #tpu.memory_space<vmem_shared>>) target(%arg6 : memref<640xf32, #tpu.memory_space<vmem>>) target_semaphore(%run_scoped3A_22 : memref<!tpu.dma_semaphore, #tpu.memory_space<semaphore_mem>>)
      %dma_wait3A = tpu.memref_slice %arg7[%mul3A_19] : memref<10240xf32, #tpu.memory_space<vmem_shared>> -> memref<640xf32, #tpu.memory_space<vmem_shared>>
      %dma_wait3A_24 = tpu.memref_slice %arg7[%mul3A_19] : memref<10240xf32, #tpu.memory_space<vmem_shared>> -> memref<640xf32, #tpu.memory_space<vmem_shared>>
      tpu.wait_dma2 semaphore(%run_scoped3A_22 : memref<!tpu.dma_semaphore, #tpu.memory_space<semaphore_mem>>) src(%dma_wait3A_24 : memref<640xf32, #tpu.memory_space<vmem_shared>>) dst(%arg6 : memref<640xf32, #tpu.memory_space<vmem>>)
      tpu.yield
    }) : () -> ()
    %mul3A_20 = arith.constant 640 : i32
    %mul3A_21 = arith.muli %arg1, %mul3A_20 : i32
    "tpu.region"() ({
      %run_scoped3A_22 = tpu.sem_alloc : memref<!tpu.dma_semaphore, #tpu.memory_space<semaphore_mem>>
      %dma_start3A = tpu.memref_slice %arg3[%arg0, %mul3A_21] : memref<2x10240xf32, #tpu.memory_space<hbm>> -> memref<1x640xf32, #tpu.memory_space<hbm>>
      %dma_start3A_23 = tpu.memref_squeeze %dma_start3A : memref<1x640xf32, #tpu.memory_space<hbm>> -> memref<640xf32, #tpu.memory_space<hbm>>
      %dma_start3A_24 = tpu.memref_slice %arg3[%arg0, %mul3A_21] : memref<2x10240xf32, #tpu.memory_space<hbm>> -> memref<1x640xf32, #tpu.memory_space<hbm>>
      %dma_start3A_25 = tpu.memref_squeeze %dma_start3A_24 : memref<1x640xf32, #tpu.memory_space<hbm>> -> memref<640xf32, #tpu.memory_space<hbm>>
      tpu.enqueue_dma source(%arg6 : memref<640xf32, #tpu.memory_space<vmem>>) target(%dma_start3A_25 : memref<640xf32, #tpu.memory_space<hbm>>) target_semaphore(%run_scoped3A_22 : memref<!tpu.dma_semaphore, #tpu.memory_space<semaphore_mem>>)
      %dma_wait3A = tpu.memref_slice %arg3[%arg0, %mul3A_21] : memref<2x10240xf32, #tpu.memory_space<hbm>> -> memref<1x640xf32, #tpu.memory_space<hbm>>
      %dma_wait3A_26 = tpu.memref_squeeze %dma_wait3A : memref<1x640xf32, #tpu.memory_space<hbm>> -> memref<640xf32, #tpu.memory_space<hbm>>
      %dma_wait3A_27 = tpu.memref_slice %arg3[%arg0, %mul3A_21] : memref<2x10240xf32, #tpu.memory_space<hbm>> -> memref<1x640xf32, #tpu.memory_space<hbm>>
      %dma_wait3A_28 = tpu.memref_squeeze %dma_wait3A_27 : memref<1x640xf32, #tpu.memory_space<hbm>> -> memref<640xf32, #tpu.memory_space<hbm>>
      tpu.wait_dma2 semaphore(%run_scoped3A_22 : memref<!tpu.dma_semaphore, #tpu.memory_space<semaphore_mem>>) src(%arg6 : memref<640xf32, #tpu.memory_space<vmem>>) dst(%dma_wait3A_28 : memref<640xf32, #tpu.memory_space<hbm>>)
      tpu.yield
    }) : () -> ()
    return
  }
}

#map = affine_map<(d0, d1) -> (0, 0, 0)>
#map1 = affine_map<(d0, d1) -> (0, 0, 0, 0)>
module attributes {stable_mosaic.version = 14 : i64} {
  func.func @k(%arg0: i32, %arg1: i32, %arg2: memref<2x10240x64xf32, #tpu.memory_space<hbm>>, %arg3: memref<2x32x80x128xi32, #tpu.memory_space<hbm>>, %arg4: memref<2x10240x64xf32, #tpu.memory_space<hbm>>, %arg5: memref<80x128xi32, #tpu.memory_space<vmem>>, %arg6: memref<80x128xi32, #tpu.memory_space<vmem>>, %arg7: memref<128x64xf32, #tpu.memory_space<vmem>>, %arg8: memref<128x64xf32, #tpu.memory_space<vmem>>, %arg9: memref<10240x64xf32, #tpu.memory_space<vmem_shared>>, %arg10: memref<10240x64xf32, #tpu.memory_space<vmem_shared>>, %arg11: memref<!tpu.dma_semaphore, #tpu.memory_space<semaphore_mem>>, %arg12: memref<!tpu.dma_semaphore, #tpu.memory_space<semaphore_mem>>) attributes {dimension_semantics = [#tpu.dimension_semantics<core_parallel>, #tpu.dimension_semantics<subcore_parallel>], iteration_bounds = array<i64: 2, 16>, scalar_prefetch = 0 : i64, scratch_operands = 8 : i64, tpu.core_type = #tpu.core_type<sc_vector_subcore>, window_params = [{transform_indices = #map}, {transform_indices = #map1}, {transform_indices = #map}]} {
    %mul3A = arith.constant 640 : i32
    %mul3A_0 = arith.muli %arg1, %mul3A : i32
    "tpu.region"() ({
      %run_scoped3A = tpu.sem_alloc : memref<!tpu.dma_semaphore, #tpu.memory_space<semaphore_mem>>
      %dma_start3A = arith.constant 0 : i32
      %dma_start3A_16 = tpu.memref_slice %arg9[%mul3A_0, %dma_start3A] : memref<10240x64xf32, #tpu.memory_space<vmem_shared>> -> memref<640x64xf32, #tpu.memory_space<vmem_shared>>
      %dma_start3A_17 = arith.constant 0 : i32
      %dma_start3A_18 = tpu.memref_slice %arg2[%arg0, %mul3A_0, %dma_start3A_17] : memref<2x10240x64xf32, #tpu.memory_space<hbm>> -> memref<1x640x64xf32, #tpu.memory_space<hbm>>
      %dma_start3A_19 = tpu.memref_squeeze %dma_start3A_18 : memref<1x640x64xf32, #tpu.memory_space<hbm>> -> memref<640x64xf32, #tpu.memory_space<hbm>>
      tpu.enqueue_dma source(%dma_start3A_19 : memref<640x64xf32, #tpu.memory_space<hbm>>) target(%dma_start3A_16 : memref<640x64xf32, #tpu.memory_space<vmem_shared>>) target_semaphore(%run_scoped3A : memref<!tpu.dma_semaphore, #tpu.memory_space<semaphore_mem>>)
      %dma_wait3A = arith.constant 0 : i32
      %dma_wait3A_20 = tpu.memref_slice %arg9[%mul3A_0, %dma_wait3A] : memref<10240x64xf32, #tpu.memory_space<vmem_shared>> -> memref<640x64xf32, #tpu.memory_space<vmem_shared>>
      %dma_wait3A_21 = arith.constant 0 : i32
      %dma_wait3A_22 = tpu.memref_slice %arg2[%arg0, %mul3A_0, %dma_wait3A_21] : memref<2x10240x64xf32, #tpu.memory_space<hbm>> -> memref<1x640x64xf32, #tpu.memory_space<hbm>>
      %dma_wait3A_23 = tpu.memref_squeeze %dma_wait3A_22 : memref<1x640x64xf32, #tpu.memory_space<hbm>> -> memref<640x64xf32, #tpu.memory_space<hbm>>
      tpu.wait_dma2 semaphore(%run_scoped3A : memref<!tpu.dma_semaphore, #tpu.memory_space<semaphore_mem>>) src(%dma_wait3A_23 : memref<640x64xf32, #tpu.memory_space<hbm>>) dst(%dma_wait3A_20 : memref<640x64xf32, #tpu.memory_space<vmem_shared>>)
      tpu.yield
    }) : () -> ()
    %scan3A = arith.constant 0 : i32
    %scan3A_1 = arith.constant 128 : i32
    %scan3A_2 = arith.addi %scan3A, %scan3A_1 : i32
    %scan3A_3 = arith.constant 1 : i32
    scf.for %scan3A_16 = %scan3A to %scan3A_2 step %scan3A_3  : i32 {
      %mul3A_17 = arith.constant 1 : i32
      %mul3A_18 = arith.muli %scan3A_16, %mul3A_17 : i32
      %add3A = arith.constant 0 : i32
      %add3A_19 = arith.addi %add3A, %mul3A_18 : i32
      %broadcast_in_dim3A = arith.constant 0.000000e+00 : f32
      %broadcast_in_dim3A_20 = vector.broadcast %broadcast_in_dim3A : f32 to vector<16xf32>
      %swap3A = arith.index_cast %add3A_19 : i32 to index
      %swap3A_21 = arith.constant 0 : index
      %swap3A_22 = tpu.vector_load %arg7[%swap3A, %swap3A_21] {strides = array<i32>} : memref<128x64xf32, #tpu.memory_space<vmem>>, vector<1x16xf32>,
      %swap3A_23 = vector.shape_cast %swap3A_22 : vector<1x16xf32> to vector<16xf32>
      %swap3A_24 = vector.shape_cast %broadcast_in_dim3A_20 : vector<16xf32> to vector<1x16xf32>
      tpu.vector_store %arg7[%swap3A, %swap3A_21], %swap3A_24 {strides = array<i32>} : memref<128x64xf32, #tpu.memory_space<vmem>>, vector<1x16xf32>,
      %broadcast_in_dim3A_25 = arith.constant 0.000000e+00 : f32
      %broadcast_in_dim3A_26 = vector.broadcast %broadcast_in_dim3A_25 : f32 to vector<16xf32>
      %swap3A_27 = arith.index_cast %add3A_19 : i32 to index
      %swap3A_28 = arith.constant 16 : index
      %swap3A_29 = tpu.vector_load %arg7[%swap3A_27, %swap3A_28] {strides = array<i32>} : memref<128x64xf32, #tpu.memory_space<vmem>>, vector<1x16xf32>,
      %swap3A_30 = vector.shape_cast %swap3A_29 : vector<1x16xf32> to vector<16xf32>
      %swap3A_31 = vector.shape_cast %broadcast_in_dim3A_26 : vector<16xf32> to vector<1x16xf32>
      tpu.vector_store %arg7[%swap3A_27, %swap3A_28], %swap3A_31 {strides = array<i32>} : memref<128x64xf32, #tpu.memory_space<vmem>>, vector<1x16xf32>,
      %broadcast_in_dim3A_32 = arith.constant 0.000000e+00 : f32
      %broadcast_in_dim3A_33 = vector.broadcast %broadcast_in_dim3A_32 : f32 to vector<16xf32>
      %swap3A_34 = arith.index_cast %add3A_19 : i32 to index
      %swap3A_35 = arith.constant 32 : index
      %swap3A_36 = tpu.vector_load %arg7[%swap3A_34, %swap3A_35] {strides = array<i32>} : memref<128x64xf32, #tpu.memory_space<vmem>>, vector<1x16xf32>,
      %swap3A_37 = vector.shape_cast %swap3A_36 : vector<1x16xf32> to vector<16xf32>
      %swap3A_38 = vector.shape_cast %broadcast_in_dim3A_33 : vector<16xf32> to vector<1x16xf32>
      tpu.vector_store %arg7[%swap3A_34, %swap3A_35], %swap3A_38 {strides = array<i32>} : memref<128x64xf32, #tpu.memory_space<vmem>>, vector<1x16xf32>,
      %broadcast_in_dim3A_39 = arith.constant 0.000000e+00 : f32
      %broadcast_in_dim3A_40 = vector.broadcast %broadcast_in_dim3A_39 : f32 to vector<16xf32>
      %swap3A_41 = arith.index_cast %add3A_19 : i32 to index
      %swap3A_42 = arith.constant 48 : index
      %swap3A_43 = tpu.vector_load %arg7[%swap3A_41, %swap3A_42] {strides = array<i32>} : memref<128x64xf32, #tpu.memory_space<vmem>>, vector<1x16xf32>,
      %swap3A_44 = vector.shape_cast %swap3A_43 : vector<1x16xf32> to vector<16xf32>
      %swap3A_45 = vector.shape_cast %broadcast_in_dim3A_40 : vector<16xf32> to vector<1x16xf32>
      tpu.vector_store %arg7[%swap3A_41, %swap3A_42], %swap3A_45 {strides = array<i32>} : memref<128x64xf32, #tpu.memory_space<vmem>>, vector<1x16xf32>,
    }
    %scan3A_4 = arith.constant 128 : i32
    %scan3A_5 = arith.constant 0 : i32
    %scan3A_6 = arith.constant 5 : i32
    %scan3A_7 = arith.addi %scan3A_5, %scan3A_6 : i32
    %scan3A_8 = arith.constant 1 : i32
    scf.for %scan3A_16 = %scan3A_5 to %scan3A_7 step %scan3A_8  : i32 {
      %mul3A_17 = arith.constant 1 : i32
      %mul3A_18 = arith.muli %scan3A_16, %mul3A_17 : i32
      %add3A = arith.constant 0 : i32
      %add3A_19 = arith.addi %add3A, %mul3A_18 : i32
      %mul3A_20 = arith.constant 128 : i32
      %mul3A_21 = arith.muli %add3A_19, %mul3A_20 : i32
      %add3A_22 = arith.addi %mul3A_0, %mul3A_21 : i32
      "tpu.region"() ({
        %run_scoped3A = tpu.sem_alloc : memref<!tpu.dma_semaphore, #tpu.memory_space<semaphore_mem>>
        %dma_start3A = arith.constant 0 : i32
        %dma_start3A_23 = tpu.memref_slice %arg10[%add3A_22, %dma_start3A] : memref<10240x64xf32, #tpu.memory_space<vmem_shared>> -> memref<128x64xf32, #tpu.memory_space<vmem_shared>>
        %dma_start3A_24 = arith.constant 0 : i32
        %dma_start3A_25 = tpu.memref_slice %arg10[%add3A_22, %dma_start3A_24] : memref<10240x64xf32, #tpu.memory_space<vmem_shared>> -> memref<128x64xf32, #tpu.memory_space<vmem_shared>>
        tpu.enqueue_dma source(%arg7 : memref<128x64xf32, #tpu.memory_space<vmem>>) target(%dma_start3A_25 : memref<128x64xf32, #tpu.memory_space<vmem_shared>>) target_semaphore(%run_scoped3A : memref<!tpu.dma_semaphore, #tpu.memory_space<semaphore_mem>>)
        %dma_wait3A = arith.constant 0 : i32
        %dma_wait3A_26 = tpu.memref_slice %arg10[%add3A_22, %dma_wait3A] : memref<10240x64xf32, #tpu.memory_space<vmem_shared>> -> memref<128x64xf32, #tpu.memory_space<vmem_shared>>
        %dma_wait3A_27 = arith.constant 0 : i32
        %dma_wait3A_28 = tpu.memref_slice %arg10[%add3A_22, %dma_wait3A_27] : memref<10240x64xf32, #tpu.memory_space<vmem_shared>> -> memref<128x64xf32, #tpu.memory_space<vmem_shared>>
        tpu.wait_dma2 semaphore(%run_scoped3A : memref<!tpu.dma_semaphore, #tpu.memory_space<semaphore_mem>>) src(%arg7 : memref<128x64xf32, #tpu.memory_space<vmem>>) dst(%dma_wait3A_28 : memref<128x64xf32, #tpu.memory_space<vmem_shared>>)
        tpu.yield
      }) : () -> ()
    }
    %scan3A_9 = arith.constant 5 : i32
    %barrier3A = arith.constant 0 : index
    tpu.barrier barrier_id(%barrier3A)
    %scan3A_10 = arith.constant 0 : i32
    %scan3A_11 = arith.constant 2 : i32
    %scan3A_12 = arith.addi %scan3A_10, %scan3A_11 : i32
    %scan3A_13 = arith.constant 1 : i32
    scf.for %scan3A_16 = %scan3A_10 to %scan3A_12 step %scan3A_13  : i32 {
      %mul3A_17 = arith.constant 1 : i32
      %mul3A_18 = arith.muli %scan3A_16, %mul3A_17 : i32
      %add3A = arith.constant 0 : i32
      %add3A_19 = arith.addi %add3A, %mul3A_18 : i32
      %mul3A_20 = arith.constant 2 : i32
      %mul3A_21 = arith.muli %mul3A_20, %arg1 : i32
      %add3A_22 = arith.addi %mul3A_21, %add3A_19 : i32
      %run_scoped3A = arith.constant 0 : i32
      "tpu.region"() ({
        %run_scoped3A_42 = tpu.sem_alloc : memref<!tpu.dma_semaphore, #tpu.memory_space<semaphore_mem>>
        %dma_start3A_43 = arith.constant 0 : i32
        %dma_start3A_44 = arith.constant 0 : i32
        %dma_start3A_45 = tpu.memref_slice %arg3[%run_scoped3A, %add3A_22, %dma_start3A_43, %dma_start3A_44] : memref<2x32x80x128xi32, #tpu.memory_space<hbm>> -> memref<1x1x80x128xi32, #tpu.memory_space<hbm>>
        %dma_start3A_46 = tpu.memref_squeeze %dma_start3A_45 : memref<1x1x80x128xi32, #tpu.memory_space<hbm>> -> memref<80x128xi32, #tpu.memory_space<hbm>>
        %dma_start3A_47 = arith.constant 0 : i32
        %dma_start3A_48 = arith.constant 0 : i32
        %dma_start3A_49 = tpu.memref_slice %arg3[%run_scoped3A, %add3A_22, %dma_start3A_47, %dma_start3A_48] : memref<2x32x80x128xi32, #tpu.memory_space<hbm>> -> memref<1x1x80x128xi32, #tpu.memory_space<hbm>>
        %dma_start3A_50 = tpu.memref_squeeze %dma_start3A_49 : memref<1x1x80x128xi32, #tpu.memory_space<hbm>> -> memref<80x128xi32, #tpu.memory_space<hbm>>
        tpu.enqueue_dma source(%dma_start3A_50 : memref<80x128xi32, #tpu.memory_space<hbm>>) target(%arg5 : memref<80x128xi32, #tpu.memory_space<vmem>>) target_semaphore(%run_scoped3A_42 : memref<!tpu.dma_semaphore, #tpu.memory_space<semaphore_mem>>)
        %dma_wait3A = arith.constant 0 : i32
        %dma_wait3A_51 = arith.constant 0 : i32
        %dma_wait3A_52 = tpu.memref_slice %arg3[%run_scoped3A, %add3A_22, %dma_wait3A, %dma_wait3A_51] : memref<2x32x80x128xi32, #tpu.memory_space<hbm>> -> memref<1x1x80x128xi32, #tpu.memory_space<hbm>>
        %dma_wait3A_53 = tpu.memref_squeeze %dma_wait3A_52 : memref<1x1x80x128xi32, #tpu.memory_space<hbm>> -> memref<80x128xi32, #tpu.memory_space<hbm>>
        %dma_wait3A_54 = arith.constant 0 : i32
        %dma_wait3A_55 = arith.constant 0 : i32
        %dma_wait3A_56 = tpu.memref_slice %arg3[%run_scoped3A, %add3A_22, %dma_wait3A_54, %dma_wait3A_55] : memref<2x32x80x128xi32, #tpu.memory_space<hbm>> -> memref<1x1x80x128xi32, #tpu.memory_space<hbm>>
        %dma_wait3A_57 = tpu.memref_squeeze %dma_wait3A_56 : memref<1x1x80x128xi32, #tpu.memory_space<hbm>> -> memref<80x128xi32, #tpu.memory_space<hbm>>
        tpu.wait_dma2 semaphore(%run_scoped3A_42 : memref<!tpu.dma_semaphore, #tpu.memory_space<semaphore_mem>>) src(%dma_wait3A_57 : memref<80x128xi32, #tpu.memory_space<hbm>>) dst(%arg5 : memref<80x128xi32, #tpu.memory_space<vmem>>)
        tpu.yield
      }) : () -> ()
      %run_scoped3A_23 = arith.constant 1 : i32
      "tpu.region"() ({
        %run_scoped3A_42 = tpu.sem_alloc : memref<!tpu.dma_semaphore, #tpu.memory_space<semaphore_mem>>
        %dma_start3A_43 = arith.constant 0 : i32
        %dma_start3A_44 = arith.constant 0 : i32
        %dma_start3A_45 = tpu.memref_slice %arg3[%run_scoped3A_23, %add3A_22, %dma_start3A_43, %dma_start3A_44] : memref<2x32x80x128xi32, #tpu.memory_space<hbm>> -> memref<1x1x80x128xi32, #tpu.memory_space<hbm>>
        %dma_start3A_46 = tpu.memref_squeeze %dma_start3A_45 : memref<1x1x80x128xi32, #tpu.memory_space<hbm>> -> memref<80x128xi32, #tpu.memory_space<hbm>>
        %dma_start3A_47 = arith.constant 0 : i32
        %dma_start3A_48 = arith.constant 0 : i32
        %dma_start3A_49 = tpu.memref_slice %arg3[%run_scoped3A_23, %add3A_22, %dma_start3A_47, %dma_start3A_48] : memref<2x32x80x128xi32, #tpu.memory_space<hbm>> -> memref<1x1x80x128xi32, #tpu.memory_space<hbm>>
        %dma_start3A_50 = tpu.memref_squeeze %dma_start3A_49 : memref<1x1x80x128xi32, #tpu.memory_space<hbm>> -> memref<80x128xi32, #tpu.memory_space<hbm>>
        tpu.enqueue_dma source(%dma_start3A_50 : memref<80x128xi32, #tpu.memory_space<hbm>>) target(%arg6 : memref<80x128xi32, #tpu.memory_space<vmem>>) target_semaphore(%run_scoped3A_42 : memref<!tpu.dma_semaphore, #tpu.memory_space<semaphore_mem>>)
        %dma_wait3A = arith.constant 0 : i32
        %dma_wait3A_51 = arith.constant 0 : i32
        %dma_wait3A_52 = tpu.memref_slice %arg3[%run_scoped3A_23, %add3A_22, %dma_wait3A, %dma_wait3A_51] : memref<2x32x80x128xi32, #tpu.memory_space<hbm>> -> memref<1x1x80x128xi32, #tpu.memory_space<hbm>>
        %dma_wait3A_53 = tpu.memref_squeeze %dma_wait3A_52 : memref<1x1x80x128xi32, #tpu.memory_space<hbm>> -> memref<80x128xi32, #tpu.memory_space<hbm>>
        %dma_wait3A_54 = arith.constant 0 : i32
        %dma_wait3A_55 = arith.constant 0 : i32
        %dma_wait3A_56 = tpu.memref_slice %arg3[%run_scoped3A_23, %add3A_22, %dma_wait3A_54, %dma_wait3A_55] : memref<2x32x80x128xi32, #tpu.memory_space<hbm>> -> memref<1x1x80x128xi32, #tpu.memory_space<hbm>>
        %dma_wait3A_57 = tpu.memref_squeeze %dma_wait3A_56 : memref<1x1x80x128xi32, #tpu.memory_space<hbm>> -> memref<80x128xi32, #tpu.memory_space<hbm>>
        tpu.wait_dma2 semaphore(%run_scoped3A_42 : memref<!tpu.dma_semaphore, #tpu.memory_space<semaphore_mem>>) src(%dma_wait3A_57 : memref<80x128xi32, #tpu.memory_space<hbm>>) dst(%arg6 : memref<80x128xi32, #tpu.memory_space<vmem>>)
        tpu.yield
      }) : () -> ()
      %dma_start3A = arith.constant 0 : i32
      %dma_start3A_24 = arith.constant 0 : i32
      %dma_start3A_25 = tpu.memref_slice %arg5[%dma_start3A, %dma_start3A_24] : memref<80x128xi32, #tpu.memory_space<vmem>> -> memref<1x128xi32, #tpu.memory_space<vmem>>
      %dma_start3A_26 = tpu.memref_squeeze %dma_start3A_25 : memref<1x128xi32, #tpu.memory_space<vmem>> -> memref<128xi32, #tpu.memory_space<vmem>>
      %dma_start3A_27 = arith.constant 0 : i32
      %dma_start3A_28 = arith.constant 0 : i32
      %dma_start3A_29 = tpu.memref_slice %arg9[%dma_start3A_27, %dma_start3A_28] : memref<10240x64xf32, #tpu.memory_space<vmem_shared>> -> memref<10240x64xf32, #tpu.memory_space<vmem_shared>>
      tpu.enqueue_indirect_dma source(%dma_start3A_29 : memref<10240x64xf32, #tpu.memory_space<vmem_shared>>) target(%arg7 : memref<128x64xf32, #tpu.memory_space<vmem>>) offsets(%dma_start3A_26 : memref<128xi32, #tpu.memory_space<vmem>>) semaphore(%arg11 : memref<!tpu.dma_semaphore, #tpu.memory_space<semaphore_mem>>)
      %dma_start3A_30 = arith.constant 1 : i32
      %dma_start3A_31 = arith.constant 0 : i32
      %dma_start3A_32 = tpu.memref_slice %arg5[%dma_start3A_30, %dma_start3A_31] : memref<80x128xi32, #tpu.memory_space<vmem>> -> memref<1x128xi32, #tpu.memory_space<vmem>>
      %dma_start3A_33 = tpu.memref_squeeze %dma_start3A_32 : memref<1x128xi32, #tpu.memory_space<vmem>> -> memref<128xi32, #tpu.memory_space<vmem>>
      %dma_start3A_34 = arith.constant 0 : i32
      %dma_start3A_35 = arith.constant 0 : i32
      %dma_start3A_36 = tpu.memref_slice %arg9[%dma_start3A_34, %dma_start3A_35] : memref<10240x64xf32, #tpu.memory_space<vmem_shared>> -> memref<10240x64xf32, #tpu.memory_space<vmem_shared>>
      tpu.enqueue_indirect_dma source(%dma_start3A_36 : memref<10240x64xf32, #tpu.memory_space<vmem_shared>>) target(%arg8 : memref<128x64xf32, #tpu.memory_space<vmem>>) offsets(%dma_start3A_33 : memref<128xi32, #tpu.memory_space<vmem>>) semaphore(%arg12 : memref<!tpu.dma_semaphore, #tpu.memory_space<semaphore_mem>>)
      %scan3A_37 = arith.constant 0 : i32
      %scan3A_38 = arith.constant 40 : i32
      %scan3A_39 = arith.addi %scan3A_37, %scan3A_38 : i32
      %scan3A_40 = arith.constant 1 : i32
      scf.for %scan3A_42 = %scan3A_37 to %scan3A_39 step %scan3A_40  : i32 {
        %mul3A_43 = arith.constant 2 : i32
        %mul3A_44 = arith.muli %scan3A_42, %mul3A_43 : i32
        %add3A_45 = arith.constant 0 : i32
        %add3A_46 = arith.addi %add3A_45, %mul3A_44 : i32
        %dma_wait3A = arith.constant 0 : i32
        %dma_wait3A_47 = tpu.memref_slice %arg5[%add3A_46, %dma_wait3A] : memref<80x128xi32, #tpu.memory_space<vmem>> -> memref<1x128xi32, #tpu.memory_space<vmem>>
        %dma_wait3A_48 = tpu.memref_squeeze %dma_wait3A_47 : memref<1x128xi32, #tpu.memory_space<vmem>> -> memref<128xi32, #tpu.memory_space<vmem>>
        %dma_wait3A_49 = arith.constant 0 : i32
        %dma_wait3A_50 = arith.constant 0 : i32
        %dma_wait3A_51 = tpu.memref_slice %arg9[%dma_wait3A_49, %dma_wait3A_50] : memref<10240x64xf32, #tpu.memory_space<vmem_shared>> -> memref<10240x64xf32, #tpu.memory_space<vmem_shared>>
        tpu.wait_indirect_dma semaphore(%arg11 : memref<!tpu.dma_semaphore, #tpu.memory_space<semaphore_mem>>) src(%dma_wait3A_51 : memref<10240x64xf32, #tpu.memory_space<vmem_shared>>) dst(%arg7 : memref<128x64xf32, #tpu.memory_space<vmem>>)
        "tpu.region"() ({
          %run_scoped3A_73 = tpu.sem_alloc : memref<!tpu.dma_semaphore, #tpu.memory_space<semaphore_mem>>
          %dma_start3A_74 = arith.constant 0 : i32
          %dma_start3A_75 = tpu.memref_slice %arg6[%add3A_46, %dma_start3A_74] : memref<80x128xi32, #tpu.memory_space<vmem>> -> memref<1x128xi32, #tpu.memory_space<vmem>>
          %dma_start3A_76 = tpu.memref_squeeze %dma_start3A_75 : memref<1x128xi32, #tpu.memory_space<vmem>> -> memref<128xi32, #tpu.memory_space<vmem>>
          %dma_start3A_77 = arith.constant 0 : i32
          %dma_start3A_78 = arith.constant 0 : i32
          %dma_start3A_79 = tpu.memref_slice %arg10[%dma_start3A_77, %dma_start3A_78] : memref<10240x64xf32, #tpu.memory_space<vmem_shared>> -> memref<10240x64xf32, #tpu.memory_space<vmem_shared>>
          tpu.enqueue_indirect_dma source(%arg7 : memref<128x64xf32, #tpu.memory_space<vmem>>) target(%dma_start3A_79 : memref<10240x64xf32, #tpu.memory_space<vmem_shared>>) offsets(%dma_start3A_76 : memref<128xi32, #tpu.memory_space<vmem>>) semaphore(%run_scoped3A_73 : memref<!tpu.dma_semaphore, #tpu.memory_space<semaphore_mem>>) {add = true}
          %dma_wait3A_80 = arith.constant 0 : i32
          %dma_wait3A_81 = tpu.memref_slice %arg6[%add3A_46, %dma_wait3A_80] : memref<80x128xi32, #tpu.memory_space<vmem>> -> memref<1x128xi32, #tpu.memory_space<vmem>>
          %dma_wait3A_82 = tpu.memref_squeeze %dma_wait3A_81 : memref<1x128xi32, #tpu.memory_space<vmem>> -> memref<128xi32, #tpu.memory_space<vmem>>
          %dma_wait3A_83 = arith.constant 0 : i32
          %dma_wait3A_84 = arith.constant 0 : i32
          %dma_wait3A_85 = tpu.memref_slice %arg10[%dma_wait3A_83, %dma_wait3A_84] : memref<10240x64xf32, #tpu.memory_space<vmem_shared>> -> memref<10240x64xf32, #tpu.memory_space<vmem_shared>>
          tpu.wait_indirect_dma semaphore(%run_scoped3A_73 : memref<!tpu.dma_semaphore, #tpu.memory_space<semaphore_mem>>) src(%arg7 : memref<128x64xf32, #tpu.memory_space<vmem>>) dst(%dma_wait3A_85 : memref<10240x64xf32, #tpu.memory_space<vmem_shared>>)
          tpu.yield
        }) : () -> ()
        %add3A_52 = arith.constant 2 : i32
        %add3A_53 = arith.addi %add3A_46, %add3A_52 : i32
        %lt3A = arith.constant 80 : i32
        %lt3A_54 = arith.cmpi slt, %add3A_53, %lt3A : i32
        %convert_element_type3A = arith.extui %lt3A_54 : i1 to i32
        %cond3A = arith.constant 0 : i32
        %cond3A_55 = arith.cmpi ne, %convert_element_type3A, %cond3A : i32
        scf.if %cond3A_55 {
          %add3A_73 = arith.constant 2 : i32
          %add3A_74 = arith.addi %add3A_46, %add3A_73 : i32
          %dma_start3A_75 = arith.constant 0 : i32
          %dma_start3A_76 = tpu.memref_slice %arg5[%add3A_74, %dma_start3A_75] : memref<80x128xi32, #tpu.memory_space<vmem>> -> memref<1x128xi32, #tpu.memory_space<vmem>>
          %dma_start3A_77 = tpu.memref_squeeze %dma_start3A_76 : memref<1x128xi32, #tpu.memory_space<vmem>> -> memref<128xi32, #tpu.memory_space<vmem>>
          %dma_start3A_78 = arith.constant 0 : i32
          %dma_start3A_79 = arith.constant 0 : i32
          %dma_start3A_80 = tpu.memref_slice %arg9[%dma_start3A_78, %dma_start3A_79] : memref<10240x64xf32, #tpu.memory_space<vmem_shared>> -> memref<10240x64xf32, #tpu.memory_space<vmem_shared>>
          tpu.enqueue_indirect_dma source(%dma_start3A_80 : memref<10240x64xf32, #tpu.memory_space<vmem_shared>>) target(%arg7 : memref<128x64xf32, #tpu.memory_space<vmem>>) offsets(%dma_start3A_77 : memref<128xi32, #tpu.memory_space<vmem>>) semaphore(%arg11 : memref<!tpu.dma_semaphore, #tpu.memory_space<semaphore_mem>>)
        } else {
        }
        %add3A_56 = arith.constant 1 : i32
        %add3A_57 = arith.addi %add3A_46, %add3A_56 : i32
        %dma_wait3A_58 = arith.constant 0 : i32
        %dma_wait3A_59 = tpu.memref_slice %arg5[%add3A_57, %dma_wait3A_58] : memref<80x128xi32, #tpu.memory_space<vmem>> -> memref<1x128xi32, #tpu.memory_space<vmem>>
        %dma_wait3A_60 = tpu.memref_squeeze %dma_wait3A_59 : memref<1x128xi32, #tpu.memory_space<vmem>> -> memref<128xi32, #tpu.memory_space<vmem>>
        %dma_wait3A_61 = arith.constant 0 : i32
        %dma_wait3A_62 = arith.constant 0 : i32
        %dma_wait3A_63 = tpu.memref_slice %arg9[%dma_wait3A_61, %dma_wait3A_62] : memref<10240x64xf32, #tpu.memory_space<vmem_shared>> -> memref<10240x64xf32, #tpu.memory_space<vmem_shared>>
        tpu.wait_indirect_dma semaphore(%arg12 : memref<!tpu.dma_semaphore, #tpu.memory_space<semaphore_mem>>) src(%dma_wait3A_63 : memref<10240x64xf32, #tpu.memory_space<vmem_shared>>) dst(%arg8 : memref<128x64xf32, #tpu.memory_space<vmem>>)
        %add3A_64 = arith.constant 1 : i32
        %add3A_65 = arith.addi %add3A_46, %add3A_64 : i32
        "tpu.region"() ({
          %run_scoped3A_73 = tpu.sem_alloc : memref<!tpu.dma_semaphore, #tpu.memory_space<semaphore_mem>>
          %dma_start3A_74 = arith.constant 0 : i32
          %dma_start3A_75 = tpu.memref_slice %arg6[%add3A_65, %dma_start3A_74] : memref<80x128xi32, #tpu.memory_space<vmem>> -> memref<1x128xi32, #tpu.memory_space<vmem>>
          %dma_start3A_76 = tpu.memref_squeeze %dma_start3A_75 : memref<1x128xi32, #tpu.memory_space<vmem>> -> memref<128xi32, #tpu.memory_space<vmem>>
          %dma_start3A_77 = arith.constant 0 : i32
          %dma_start3A_78 = arith.constant 0 : i32
          %dma_start3A_79 = tpu.memref_slice %arg10[%dma_start3A_77, %dma_start3A_78] : memref<10240x64xf32, #tpu.memory_space<vmem_shared>> -> memref<10240x64xf32, #tpu.memory_space<vmem_shared>>
          tpu.enqueue_indirect_dma source(%arg8 : memref<128x64xf32, #tpu.memory_space<vmem>>) target(%dma_start3A_79 : memref<10240x64xf32, #tpu.memory_space<vmem_shared>>) offsets(%dma_start3A_76 : memref<128xi32, #tpu.memory_space<vmem>>) semaphore(%run_scoped3A_73 : memref<!tpu.dma_semaphore, #tpu.memory_space<semaphore_mem>>) {add = true}
          %dma_wait3A_80 = arith.constant 0 : i32
          %dma_wait3A_81 = tpu.memref_slice %arg6[%add3A_65, %dma_wait3A_80] : memref<80x128xi32, #tpu.memory_space<vmem>> -> memref<1x128xi32, #tpu.memory_space<vmem>>
          %dma_wait3A_82 = tpu.memref_squeeze %dma_wait3A_81 : memref<1x128xi32, #tpu.memory_space<vmem>> -> memref<128xi32, #tpu.memory_space<vmem>>
          %dma_wait3A_83 = arith.constant 0 : i32
          %dma_wait3A_84 = arith.constant 0 : i32
          %dma_wait3A_85 = tpu.memref_slice %arg10[%dma_wait3A_83, %dma_wait3A_84] : memref<10240x64xf32, #tpu.memory_space<vmem_shared>> -> memref<10240x64xf32, #tpu.memory_space<vmem_shared>>
          tpu.wait_indirect_dma semaphore(%run_scoped3A_73 : memref<!tpu.dma_semaphore, #tpu.memory_space<semaphore_mem>>) src(%arg8 : memref<128x64xf32, #tpu.memory_space<vmem>>) dst(%dma_wait3A_85 : memref<10240x64xf32, #tpu.memory_space<vmem_shared>>)
          tpu.yield
        }) : () -> ()
        %add3A_66 = arith.constant 3 : i32
        %add3A_67 = arith.addi %add3A_46, %add3A_66 : i32
        %lt3A_68 = arith.constant 80 : i32
        %lt3A_69 = arith.cmpi slt, %add3A_67, %lt3A_68 : i32
        %convert_element_type3A_70 = arith.extui %lt3A_69 : i1 to i32
        %cond3A_71 = arith.constant 0 : i32
        %cond3A_72 = arith.cmpi ne, %convert_element_type3A_70, %cond3A_71 : i32
        scf.if %cond3A_72 {
          %add3A_73 = arith.constant 3 : i32
          %add3A_74 = arith.addi %add3A_46, %add3A_73 : i32
          %dma_start3A_75 = arith.constant 0 : i32
          %dma_start3A_76 = tpu.memref_slice %arg5[%add3A_74, %dma_start3A_75] : memref<80x128xi32, #tpu.memory_space<vmem>> -> memref<1x128xi32, #tpu.memory_space<vmem>>
          %dma_start3A_77 = tpu.memref_squeeze %dma_start3A_76 : memref<1x128xi32, #tpu.memory_space<vmem>> -> memref<128xi32, #tpu.memory_space<vmem>>
          %dma_start3A_78 = arith.constant 0 : i32
          %dma_start3A_79 = arith.constant 0 : i32
          %dma_start3A_80 = tpu.memref_slice %arg9[%dma_start3A_78, %dma_start3A_79] : memref<10240x64xf32, #tpu.memory_space<vmem_shared>> -> memref<10240x64xf32, #tpu.memory_space<vmem_shared>>
          tpu.enqueue_indirect_dma source(%dma_start3A_80 : memref<10240x64xf32, #tpu.memory_space<vmem_shared>>) target(%arg8 : memref<128x64xf32, #tpu.memory_space<vmem>>) offsets(%dma_start3A_77 : memref<128xi32, #tpu.memory_space<vmem>>) semaphore(%arg12 : memref<!tpu.dma_semaphore, #tpu.memory_space<semaphore_mem>>)
        } else {
        }
      }
      %scan3A_41 = arith.constant 40 : i32
    }
    %scan3A_14 = arith.constant 2 : i32
    %barrier3A_15 = arith.constant 0 : index
    tpu.barrier barrier_id(%barrier3A_15)
    "tpu.region"() ({
      %run_scoped3A = tpu.sem_alloc : memref<!tpu.dma_semaphore, #tpu.memory_space<semaphore_mem>>
      %dma_start3A = arith.constant 0 : i32
      %dma_start3A_16 = tpu.memref_slice %arg4[%arg0, %mul3A_0, %dma_start3A] : memref<2x10240x64xf32, #tpu.memory_space<hbm>> -> memref<1x640x64xf32, #tpu.memory_space<hbm>>
      %dma_start3A_17 = tpu.memref_squeeze %dma_start3A_16 : memref<1x640x64xf32, #tpu.memory_space<hbm>> -> memref<640x64xf32, #tpu.memory_space<hbm>>
      %dma_start3A_18 = arith.constant 0 : i32
      %dma_start3A_19 = tpu.memref_slice %arg10[%mul3A_0, %dma_start3A_18] : memref<10240x64xf32, #tpu.memory_space<vmem_shared>> -> memref<640x64xf32, #tpu.memory_space<vmem_shared>>
      tpu.enqueue_dma source(%dma_start3A_19 : memref<640x64xf32, #tpu.memory_space<vmem_shared>>) target(%dma_start3A_17 : memref<640x64xf32, #tpu.memory_space<hbm>>) target_semaphore(%run_scoped3A : memref<!tpu.dma_semaphore, #tpu.memory_space<semaphore_mem>>)
      %dma_wait3A = arith.constant 0 : i32
      %dma_wait3A_20 = tpu.memref_slice %arg4[%arg0, %mul3A_0, %dma_wait3A] : memref<2x10240x64xf32, #tpu.memory_space<hbm>> -> memref<1x640x64xf32, #tpu.memory_space<hbm>>
      %dma_wait3A_21 = tpu.memref_squeeze %dma_wait3A_20 : memref<1x640x64xf32, #tpu.memory_space<hbm>> -> memref<640x64xf32, #tpu.memory_space<hbm>>
      %dma_wait3A_22 = arith.constant 0 : i32
      %dma_wait3A_23 = tpu.memref_slice %arg10[%mul3A_0, %dma_wait3A_22] : memref<10240x64xf32, #tpu.memory_space<vmem_shared>> -> memref<640x64xf32, #tpu.memory_space<vmem_shared>>
      tpu.wait_dma2 semaphore(%run_scoped3A : memref<!tpu.dma_semaphore, #tpu.memory_space<semaphore_mem>>) src(%dma_wait3A_23 : memref<640x64xf32, #tpu.memory_space<vmem_shared>>) dst(%dma_wait3A_21 : memref<640x64xf32, #tpu.memory_space<hbm>>)
      tpu.yield
    }) : () -> ()
    return
  }
}

module attributes {stable_mosaic.version = 14 : i64} {
  func.func @body(%arg0: i32, %arg1: memref<2048x128xf32, #tpu.memory_space<vmem>>, %arg2: memref<128x128xf32, #tpu.memory_space<vmem>>, %arg3: memref<2048x2xf32, #tpu.memory_space<vmem>>, %arg4: memref<2x2048x64xf32, #tpu.memory_space<vmem>>) attributes {dimension_semantics = [#tpu.dimension_semantics<arbitrary>], iteration_bounds = array<i64: 5>, scalar_prefetch = 0 : i64, scratch_operands = 0 : i64, tpu.core_type = #tpu.core_type<tc>, window_params = [{transform_indices = @transform_0, window_bounds = array<i64: 2048, 128>}, {pipeline_mode = #tpu.pipeline_mode<synchronous>, transform_indices = @transform_1, window_bounds = array<i64: 128, 128>}, {transform_indices = @transform_2, window_bounds = array<i64: 2048, 2>}, {transform_indices = @transform_3, window_bounds = array<i64: 2, 2048, 64>}]} {
    %get3A = arith.constant 0 : index
    %get3A_0 = arith.constant 0 : index
    %get3A_1 = vector.load %arg3[%get3A, %get3A_0] : memref<2048x2xf32, #tpu.memory_space<vmem>>, vector<2048x1xf32>
    %get3A_2 = arith.constant 0 : index
    %get3A_3 = arith.constant 1 : index
    %get3A_4 = vector.load %arg3[%get3A_2, %get3A_3] : memref<2048x2xf32, #tpu.memory_space<vmem>>, vector<2048x1xf32>
    %add3A = arith.addf %get3A_1, %get3A_4 : vector<2048x1xf32>
    %add3A_5 = arith.constant 1.000000e+00 : f32
    %add3A_6 = vector.broadcast %add3A_5 : f32 to vector<2048x1xf32>
    %add3A_7 = arith.addf %add3A, %add3A_6 : vector<2048x1xf32>
    %rsqrt3A = math.rsqrt %add3A_7 : vector<2048x1xf32>
    %get3A_8 = arith.constant 0 : index
    %get3A_9 = arith.constant 0 : index
    %get3A_10 = vector.load %arg1[%get3A_8, %get3A_9] : memref<2048x128xf32, #tpu.memory_space<vmem>>, vector<2048x128xf32>
    %get3A_11 = arith.constant 0 : index
    %get3A_12 = arith.constant 0 : index
    %get3A_13 = vector.load %arg2[%get3A_11, %get3A_12] : memref<128x128xf32, #tpu.memory_space<vmem>>, vector<128x128xf32>
    %dot_general3A = arith.constant dense<0.000000e+00> : vector<2048x128xf32>
    %dot_general3A_14 = tpu.matmul %get3A_10, %get3A_13, %dot_general3A {dimension_numbers = #tpu.dot_dimension_numbers<[1], [0], [0], [1], [0, 0, 1, 1], [], []>, transpose_lhs_hint = false} : vector<2048x128xf32>, vector<128x128xf32>, vector<2048x128xf32> -> vector<2048x128xf32>
    %mul3A = vector.broadcast %rsqrt3A : vector<2048x1xf32> to vector<2048x128xf32>
    %mul3A_15 = arith.mulf %dot_general3A_14, %mul3A : vector<2048x128xf32>
    %slice3A = vector.extract_strided_slice %mul3A_15 {offsets = [0, 0], sizes = [2048, 64], strides = [1, 1]} : vector<2048x128xf32> to vector<2048x64xf32>
    %swap3A = arith.constant 0 : index
    %swap3A_16 = arith.constant 0 : index
    %swap3A_17 = arith.constant 0 : index
    %swap3A_18 = vector.load %arg4[%swap3A, %swap3A_16, %swap3A_17] : memref<2x2048x64xf32, #tpu.memory_space<vmem>>, vector<1x2048x64xf32>
    %swap3A_19 = vector.shape_cast %swap3A_18 : vector<1x2048x64xf32> to vector<2048x64xf32>
    %swap3A_20 = vector.shape_cast %slice3A : vector<2048x64xf32> to vector<1x2048x64xf32>
    tpu.vector_store %arg4[%swap3A, %swap3A_16, %swap3A_17], %swap3A_20 {strides = array<i32>} : memref<2x2048x64xf32, #tpu.memory_space<vmem>>, vector<1x2048x64xf32>,
    %slice3A_21 = vector.extract_strided_slice %mul3A_15 {offsets = [0, 64], sizes = [2048, 64], strides = [1, 1]} : vector<2048x128xf32> to vector<2048x64xf32>
    %swap3A_22 = arith.constant 1 : index
    %swap3A_23 = arith.constant 0 : index
    %swap3A_24 = arith.constant 0 : index
    %swap3A_25 = vector.load %arg4[%swap3A_22, %swap3A_23, %swap3A_24] : memref<2x2048x64xf32, #tpu.memory_space<vmem>>, vector<1x2048x64xf32>
    %swap3A_26 = vector.shape_cast %swap3A_25 : vector<1x2048x64xf32> to vector<2048x64xf32>
    %swap3A_27 = vector.shape_cast %slice3A_21 : vector<2048x64xf32> to vector<1x2048x64xf32>
    tpu.vector_store %arg4[%swap3A_22, %swap3A_23, %swap3A_24], %swap3A_27 {strides = array<i32>} : memref<2x2048x64xf32, #tpu.memory_space<vmem>>, vector<1x2048x64xf32>,
    return
  }
  func.func @transform_0(%arg0: i32) -> (i32, i32) {
    %c0_i32 = arith.constant 0 : i32
    %c0_i32_0 = arith.constant 0 : i32
    return %arg0, %c0_i32 : i32, i32
  }
  func.func @transform_1(%arg0: i32) -> (i32, i32) {
    %c0_i32 = arith.constant 0 : i32
    %c0_i32_0 = arith.constant 0 : i32
    %c0_i32_1 = arith.constant 0 : i32
    return %c0_i32, %c0_i32_0 : i32, i32
  }
  func.func @transform_2(%arg0: i32) -> (i32, i32) {
    %c0_i32 = arith.constant 0 : i32
    %c0_i32_0 = arith.constant 0 : i32
    return %arg0, %c0_i32 : i32, i32
  }
  func.func @transform_3(%arg0: i32) -> (i32, i32, i32) {
    %c0_i32 = arith.constant 0 : i32
    %c0_i32_0 = arith.constant 0 : i32
    %c0_i32_1 = arith.constant 0 : i32
    return %c0_i32, %arg0, %c0_i32_0 : i32, i32, i32
  }
}

module attributes {stable_mosaic.version = 14 : i64} {
  func.func @body(%arg0: i32, %arg1: memref<2x2048x64xf32, #tpu.memory_space<vmem>>, %arg2: memref<2x2048x64xf32, #tpu.memory_space<vmem>>, %arg3: memref<2048x2xf32, #tpu.memory_space<vmem>>, %arg4: memref<128x40xf32, #tpu.memory_space<vmem>>, %arg5: memref<2048x40xf32, #tpu.memory_space<vmem>>) attributes {dimension_semantics = [#tpu.dimension_semantics<arbitrary>], iteration_bounds = array<i64: 5>, scalar_prefetch = 0 : i64, scratch_operands = 0 : i64, tpu.core_type = #tpu.core_type<tc>, window_params = [{transform_indices = @transform_0, window_bounds = array<i64: 2, 2048, 64>}, {transform_indices = @transform_1, window_bounds = array<i64: 2, 2048, 64>}, {transform_indices = @transform_2, window_bounds = array<i64: 2048, 2>}, {pipeline_mode = #tpu.pipeline_mode<synchronous>, transform_indices = @transform_3, window_bounds = array<i64: 128, 40>}, {transform_indices = @transform_4, window_bounds = array<i64: 2048, 40>}]} {
    %get3A = arith.constant 0 : index
    %get3A_0 = arith.constant 0 : index
    %get3A_1 = vector.load %arg3[%get3A, %get3A_0] : memref<2048x2xf32, #tpu.memory_space<vmem>>, vector<2048x1xf32>
    %get3A_2 = arith.constant 0 : index
    %get3A_3 = arith.constant 1 : index
    %get3A_4 = vector.load %arg3[%get3A_2, %get3A_3] : memref<2048x2xf32, #tpu.memory_space<vmem>>, vector<2048x1xf32>
    %add3A = arith.addf %get3A_1, %get3A_4 : vector<2048x1xf32>
    %add3A_5 = arith.constant 1.000000e+00 : f32
    %add3A_6 = vector.broadcast %add3A_5 : f32 to vector<2048x1xf32>
    %add3A_7 = arith.addf %add3A, %add3A_6 : vector<2048x1xf32>
    %rsqrt3A = math.rsqrt %add3A_7 : vector<2048x1xf32>
    %get3A_8 = arith.constant 0 : index
    %get3A_9 = arith.constant 0 : index
    %get3A_10 = arith.constant 0 : index
    %get3A_11 = vector.load %arg1[%get3A_8, %get3A_9, %get3A_10] : memref<2x2048x64xf32, #tpu.memory_space<vmem>>, vector<1x2048x64xf32>
    %get3A_12 = vector.shape_cast %get3A_11 : vector<1x2048x64xf32> to vector<2048x64xf32>
    %get3A_13 = arith.constant 0 : index
    %get3A_14 = arith.constant 0 : index
    %get3A_15 = arith.constant 0 : index
    %get3A_16 = vector.load %arg2[%get3A_13, %get3A_14, %get3A_15] : memref<2x2048x64xf32, #tpu.memory_space<vmem>>, vector<1x2048x64xf32>
    %get3A_17 = vector.shape_cast %get3A_16 : vector<1x2048x64xf32> to vector<2048x64xf32>
    %add3A_18 = arith.addf %get3A_12, %get3A_17 : vector<2048x64xf32>
    %get3A_19 = arith.constant 1 : index
    %get3A_20 = arith.constant 0 : index
    %get3A_21 = arith.constant 0 : index
    %get3A_22 = vector.load %arg1[%get3A_19, %get3A_20, %get3A_21] : memref<2x2048x64xf32, #tpu.memory_space<vmem>>, vector<1x2048x64xf32>
    %get3A_23 = vector.shape_cast %get3A_22 : vector<1x2048x64xf32> to vector<2048x64xf32>
    %get3A_24 = arith.constant 1 : index
    %get3A_25 = arith.constant 0 : index
    %get3A_26 = arith.constant 0 : index
    %get3A_27 = vector.load %arg2[%get3A_24, %get3A_25, %get3A_26] : memref<2x2048x64xf32, #tpu.memory_space<vmem>>, vector<1x2048x64xf32>
    %get3A_28 = vector.shape_cast %get3A_27 : vector<1x2048x64xf32> to vector<2048x64xf32>
    %add3A_29 = arith.addf %get3A_23, %get3A_28 : vector<2048x64xf32>
    %concatenate3A = tpu.concatenate %add3A_18, %add3A_29 in 1 : vector<2048x64xf32>, vector<2048x64xf32> -> vector<2048x128xf32>
    %mul3A = vector.broadcast %rsqrt3A : vector<2048x1xf32> to vector<2048x128xf32>
    %mul3A_30 = arith.mulf %concatenate3A, %mul3A : vector<2048x128xf32>
    %max3A = arith.constant 0.000000e+00 : f32
    %max3A_31 = vector.broadcast %max3A : f32 to vector<2048x128xf32>
    %max3A_32 = arith.maximumf %mul3A_30, %max3A_31 : vector<2048x128xf32>
    %get3A_33 = arith.constant 0 : index
    %get3A_34 = arith.constant 0 : index
    %get3A_35 = vector.load %arg4[%get3A_33, %get3A_34] : memref<128x40xf32, #tpu.memory_space<vmem>>, vector<128x40xf32>
    %dot_general3A = arith.constant dense<0.000000e+00> : vector<2048x40xf32>
    %dot_general3A_36 = tpu.matmul %max3A_32, %get3A_35, %dot_general3A {dimension_numbers = #tpu.dot_dimension_numbers<[1], [0], [0], [1], [0, 0, 1, 1], [], []>, transpose_lhs_hint = false} : vector<2048x128xf32>, vector<128x40xf32>, vector<2048x40xf32> -> vector<2048x40xf32>
    %mul3A_37 = vector.broadcast %rsqrt3A : vector<2048x1xf32> to vector<2048x40xf32>
    %mul3A_38 = arith.mulf %dot_general3A_36, %mul3A_37 : vector<2048x40xf32>
    %swap3A = arith.constant 0 : index
    %swap3A_39 = arith.constant 0 : index
    %swap3A_40 = vector.load %arg5[%swap3A, %swap3A_39] : memref<2048x40xf32, #tpu.memory_space<vmem>>, vector<2048x40xf32>
    tpu.vector_store %arg5[%swap3A, %swap3A_39], %mul3A_38 {strides = array<i32>} : memref<2048x40xf32, #tpu.memory_space<vmem>>, vector<2048x40xf32>,
    return
  }
  func.func @transform_0(%arg0: i32) -> (i32, i32, i32) {
    %c0_i32 = arith.constant 0 : i32
    %c0_i32_0 = arith.constant 0 : i32
    %c0_i32_1 = arith.constant 0 : i32
    return %c0_i32, %arg0, %c0_i32_0 : i32, i32, i32
  }
  func.func @transform_1(%arg0: i32) -> (i32, i32, i32) {
    %c0_i32 = arith.constant 0 : i32
    %c0_i32_0 = arith.constant 0 : i32
    %c0_i32_1 = arith.constant 0 : i32
    return %c0_i32, %arg0, %c0_i32_0 : i32, i32, i32
  }
  func.func @transform_2(%arg0: i32) -> (i32, i32) {
    %c0_i32 = arith.constant 0 : i32
    %c0_i32_0 = arith.constant 0 : i32
    return %arg0, %c0_i32 : i32, i32
  }
  func.func @transform_3(%arg0: i32) -> (i32, i32) {
    %c0_i32 = arith.constant 0 : i32
    %c0_i32_0 = arith.constant 0 : i32
    %c0_i32_1 = arith.constant 0 : i32
    return %c0_i32, %c0_i32_0 : i32, i32
  }
  func.func @transform_4(%arg0: i32) -> (i32, i32) {
    %c0_i32 = arith.constant 0 : i32
    %c0_i32_0 = arith.constant 0 : i32
    return %arg0, %c0_i32 : i32, i32
  }
}

module attributes {stable_mosaic.version = 14 : i64} {
  func.func @body(%arg0: i32, %arg1: memref<2x2048x40xf32, #tpu.memory_space<vmem>>, %arg2: memref<2048x40xf32, #tpu.memory_space<vmem>>, %arg3: memref<2048x2xf32, #tpu.memory_space<vmem>>, %arg4: memref<2048x40xf32, #tpu.memory_space<vmem>>) attributes {dimension_semantics = [#tpu.dimension_semantics<arbitrary>], iteration_bounds = array<i64: 5>, scalar_prefetch = 0 : i64, scratch_operands = 0 : i64, tpu.core_type = #tpu.core_type<tc>, window_params = [{transform_indices = @transform_0, window_bounds = array<i64: 2, 2048, 40>}, {transform_indices = @transform_1, window_bounds = array<i64: 2048, 40>}, {transform_indices = @transform_2, window_bounds = array<i64: 2048, 2>}, {transform_indices = @transform_3, window_bounds = array<i64: 2048, 40>}]} {
    %get3A = arith.constant 0 : index
    %get3A_0 = arith.constant 0 : index
    %get3A_1 = vector.load %arg3[%get3A, %get3A_0] : memref<2048x2xf32, #tpu.memory_space<vmem>>, vector<2048x1xf32>
    %get3A_2 = arith.constant 0 : index
    %get3A_3 = arith.constant 1 : index
    %get3A_4 = vector.load %arg3[%get3A_2, %get3A_3] : memref<2048x2xf32, #tpu.memory_space<vmem>>, vector<2048x1xf32>
    %add3A = arith.addf %get3A_1, %get3A_4 : vector<2048x1xf32>
    %add3A_5 = arith.constant 1.000000e+00 : f32
    %add3A_6 = vector.broadcast %add3A_5 : f32 to vector<2048x1xf32>
    %add3A_7 = arith.addf %add3A, %add3A_6 : vector<2048x1xf32>
    %rsqrt3A = math.rsqrt %add3A_7 : vector<2048x1xf32>
    %get3A_8 = arith.constant 0 : index
    %get3A_9 = arith.constant 0 : index
    %get3A_10 = arith.constant 0 : index
    %get3A_11 = vector.load %arg1[%get3A_8, %get3A_9, %get3A_10] : memref<2x2048x40xf32, #tpu.memory_space<vmem>>, vector<1x2048x40xf32>
    %get3A_12 = vector.shape_cast %get3A_11 : vector<1x2048x40xf32> to vector<2048x40xf32>
    %get3A_13 = arith.constant 1 : index
    %get3A_14 = arith.constant 0 : index
    %get3A_15 = arith.constant 0 : index
    %get3A_16 = vector.load %arg1[%get3A_13, %get3A_14, %get3A_15] : memref<2x2048x40xf32, #tpu.memory_space<vmem>>, vector<1x2048x40xf32>
    %get3A_17 = vector.shape_cast %get3A_16 : vector<1x2048x40xf32> to vector<2048x40xf32>
    %add3A_18 = arith.addf %get3A_12, %get3A_17 : vector<2048x40xf32>
    %get3A_19 = arith.constant 0 : index
    %get3A_20 = arith.constant 0 : index
    %get3A_21 = vector.load %arg2[%get3A_19, %get3A_20] : memref<2048x40xf32, #tpu.memory_space<vmem>>, vector<2048x40xf32>
    %add3A_22 = arith.addf %add3A_18, %get3A_21 : vector<2048x40xf32>
    %mul3A = vector.broadcast %rsqrt3A : vector<2048x1xf32> to vector<2048x40xf32>
    %mul3A_23 = arith.mulf %add3A_22, %mul3A : vector<2048x40xf32>
    %swap3A = arith.constant 0 : index
    %swap3A_24 = arith.constant 0 : index
    %swap3A_25 = vector.load %arg4[%swap3A, %swap3A_24] : memref<2048x40xf32, #tpu.memory_space<vmem>>, vector<2048x40xf32>
    tpu.vector_store %arg4[%swap3A, %swap3A_24], %mul3A_23 {strides = array<i32>} : memref<2048x40xf32, #tpu.memory_space<vmem>>, vector<2048x40xf32>,
    return
  }
  func.func @transform_0(%arg0: i32) -> (i32, i32, i32) {
    %c0_i32 = arith.constant 0 : i32
    %c0_i32_0 = arith.constant 0 : i32
    %c0_i32_1 = arith.constant 0 : i32
    return %c0_i32, %arg0, %c0_i32_0 : i32, i32, i32
  }
  func.func @transform_1(%arg0: i32) -> (i32, i32) {
    %c0_i32 = arith.constant 0 : i32
    %c0_i32_0 = arith.constant 0 : i32
    return %arg0, %c0_i32 : i32, i32
  }
  func.func @transform_2(%arg0: i32) -> (i32, i32) {
    %c0_i32 = arith.constant 0 : i32
    %c0_i32_0 = arith.constant 0 : i32
    return %arg0, %c0_i32 : i32, i32
  }
  func.func @transform_3(%arg0: i32) -> (i32, i32) {
    %c0_i32 = arith.constant 0 : i32
    %c0_i32_0 = arith.constant 0 : i32
    return %arg0, %c0_i32 : i32, i32
  }
}

</mosaic_0001>

<sc_bundles>
// kernel: kernel.11.cloned.1.call-start
scs
__scs_entry_jumppad:
0x0: {  	(pc) =	sbr.rel $0x88, $3  }
0x1: {  	(tag) =	ssettag $0x0;
	lr =	simm.s32 $0x1  }
0x2: {  	[smem:$0x3F9D] =	sst lr;
	_ =	strace $0xD0000000  }
0x3: {  	_ = 	snop  }
0x4: {  	_ = 	snop  }
0x5: {  	_ = 	snop  }
0x6: {  	_ = 	snop  }
0x7: {  	_ = 	snop  }
__scs_overlays_trampoline_lowered:
0x8: {  	[smem:$0x3FAC] =	sst s0  }
0x9: {  	[smem:$0x3FAD] =	sst s1  }
0xa: {  	[smem:$0x3FAE] =	sst s2  }
0xb: {  	[smem:$0x3FAF] =	sst s3  }
0xc: {  	[smem:$0x3FB0] =	sst s4  }
0xd: {  	[smem:$0x3FB1] =	sst s5  }
0xe: {  	[smem:$0x3FB2] =	sst s6  }
0xf: {  	[smem:$0x3FB3] =	sst s7  }
0x10: {  	[smem:$0x3FB4] =	sst s8  }
0x11: {  	[smem:$0x3FB5] =	sst s9;
	s0 =	simm.s32 @!p0 $0x0  }
0x12: {  	s1 =	sld [smem:$0x3F9B];
	s0 =	simm.s32 @p0 $0x1  }
0x13: {  	[smem:$0x3FB6] =	sst s0;
	s0 =	simm.s32 @!p1 $0x0  }
0x14: {  	s2 =	sld [smem:$0x3F9A];
	s0 =	simm.s32 @p1 $0x1  }
0x15: {  	[smem:$0x3FB7] =	sst s0;
	s0 =	simm.s32 @!p2 $0x0  }
0x16: {  	s3 =	sld [smem:$0x3FDB];
	s0 =	simm.s32 @p2 $0x1  }
0x17: {  	s4 =	simm.s32 $0x1BF5;
	[smem:$0x3FB9] =	sst s0  }
0x18: {  	s0 =	sld [smem:$0x3F9C];
	_ =	swait.ge [sflag:s4], $0x0  }
0x19: {  	s7 =	sld [smem:$0x3F9D]  }
0x1a: {  	s8 =	sadd.s32 $0xFFFFE003, lr  }
0x1b: {  	s9 =	sadd.s32 $0xFFFFFEF7, lr;
	s5 =	simm.s32 $0xFFFFFFFF;
	p2 =	slt.u32 s8, $0xFFFFF086  }
0x1c: {  	p1 =	slt.u32 s9, $0xF7A;
	s5 =	simm.s32 @!p2 $0x0  }
0x1d: {  	s5 =	simm.s32 @p1 $0x1;
	p0 =	seq.s32 s7, s2  }
0x1e: {  	s7 =	smul.u32 @!p0 $0xF7A, s2;
	p2 =	seq.s32 @!p0 s5, $0x0  }
0x1f: {  	s9 =	smul.u32 $0xF7A, s1;
	s8 =	simm.s32 @!p0 $0x1BF5;
	p2 =	por !p2, p0  }
0x20: {  	[sflag:s8] =	ssyncset.s32 @!p0 $0xFFFFF086;
	s6 =	sadd.s32 @!p0 s3, s7;
	s7 =	simm.s32 @!p0 $0x108  }
0x21: {  	s3 =	sadd.s32 s3, s9;
	s6 =	sadd.s32 @!p0 $0x88, s6;
	s7 =	simm.s32 @p2 $0x1082  }
0x22: {  	[simem:s7], [sflag:s8] =	dma.local @!p0 [hbm:s6], $0xF7A  }
0x23: {  	s9 =	sor.u32 $0xD0000000, s2;
	s6 =	simm.s32 $0x108;
	_ =	swait.ge @!p0 [sflag:s8], $0x0  }
0x24: {  	s3 =	sadd.s32 $0x88, s3;
	s6 =	simm.s32 @!p1 $0x1082;
	[sflag:s4] =	ssyncset.s32 $0xFFFFF086  }
0x25: {  	[simem:s6], [sflag:s4] =	dma.local [hbm:s3], $0xF7A  }
0x26: {  	[smem:$0x3F9D] =	sst s1;
	(tag) =	ssettag s2;
	_ =	strace s9  }
0x27: {  	s1 =	sld [smem:$0x3FAD]  }
0x28: {  	s2 =	sld [smem:$0x3FAE]  }
0x29: {  	s4 =	sld [smem:$0x3FB0]  }
0x2a: {  	p0 =	seq.s32 s5, $0x0;
	s5 =	sld [smem:$0x3FB1]  }
0x2b: {  	s6 =	sld [smem:$0x3FB2]  }
0x2c: {  	s7 =	sld [smem:$0x3FB3]  }
0x2d: {  	s3 =	simm.s32 $0x108;
	s8 =	sld [smem:$0x3FB4]  }
0x2e: {  	s3 =	simm.s32 @!p0 $0x1082;
	s9 =	sld [smem:$0x3FB5]  }
0x2f: {  	lr =	sadd.s32 s0, s3;
	s0 =	sld [smem:$0x3FAC]  }
0x30: {  	s3 =	sld [smem:$0x3FAF]  }
0x31: {  	[smem:$0x3FB8] =	sst s10  }
0x32: {  	s10 =	sld [smem:$0x3FB6];
	_ =	sdelay $0x3  }
0x33: {  	p0 =	seq.s32 s10, $0x1;
	s10 =	sld [smem:$0x3FB8];
	_ =	sdelay $0x3  }
0x34: {  	[smem:$0x3FB8] =	sst s10  }
0x35: {  	s10 =	sld [smem:$0x3FB7];
	_ =	sdelay $0x3  }
0x36: {  	p1 =	seq.s32 s10, $0x1;
	s10 =	sld [smem:$0x3FB8];
	_ =	sdelay $0x3  }
0x37: {  	[smem:$0x3FB8] =	sst s10  }
0x38: {  	s10 =	sld [smem:$0x3FB9]  }
0x39: {  	_ = 	snop;
	(pc) =	sbr.ind lr, $3  }
0x3a: {  	_ = 	snop  }
0x3b: {  	_ = 	snop  }
0x3c: {  	p2 =	seq.s32 s10, $0x1;
	s10 =	sld [smem:$0x3FB8]  }
0x3d: {  	_ =	shalt  }
0x3e: {  	_ =	shalt  }
0x3f: {  	_ =	shalt  }
0x40: {  	_ =	shalt  }
0x41: {  	_ =	shalt  }
0x42: {  	_ =	shalt  }
0x43: {  	_ =	shalt  }
0x44: {  	_ =	shalt  }
0x45: {  	_ =	shalt  }
0x46: {  	_ =	shalt  }
0x47: {  	_ =	shalt  }
0x48: {  	_ =	shalt  }
0x49: {  	_ =	shalt  }
0x4a: {  	_ =	shalt  }
0x4b: {  	_ =	shalt  }
0x4c: {  	_ =	shalt  }
0x4d: {  	_ =	shalt  }
0x4e: {  	_ =	shalt  }
0x4f: {  	_ =	shalt  }
0x50: {  	_ =	shalt  }
0x51: {  	_ =	shalt  }
0x52: {  	_ =	shalt  }
0x53: {  	_ =	shalt  }
0x54: {  	_ =	shalt  }
0x55: {  	_ =	shalt  }
0x56: {  	_ =	shalt  }
0x57: {  	_ =	shalt  }
0x58: {  	_ =	shalt  }
0x59: {  	_ =	shalt  }
0x5a: {  	_ =	shalt  }
0x5b: {  	_ =	shalt  }
0x5c: {  	_ =	shalt  }
0x5d: {  	_ =	shalt  }
0x5e: {  	_ =	shalt  }
0x5f: {  	_ =	shalt  }
0x60: {  	_ =	shalt  }
0x61: {  	_ =	shalt  }
0x62: {  	_ =	shalt  }
0x63: {  	_ =	shalt  }
0x64: {  	_ =	shalt  }
0x65: {  	_ =	shalt  }
0x66: {  	_ =	shalt  }
0x67: {  	_ =	shalt  }
0x68: {  	_ =	shalt  }
0x69: {  	_ =	shalt  }
0x6a: {  	_ =	shalt  }
0x6b: {  	_ =	shalt  }
0x6c: {  	_ =	shalt  }
0x6d: {  	_ =	shalt  }
0x6e: {  	_ =	shalt  }
0x6f: {  	_ =	shalt  }
0x70: {  	_ =	shalt  }
0x71: {  	_ =	shalt  }
0x72: {  	_ =	shalt  }
0x73: {  	_ =	shalt  }
0x74: {  	_ =	shalt  }
0x75: {  	_ =	shalt  }
0x76: {  	_ =	shalt  }
0x77: {  	_ =	shalt  }
0x78: {  	_ =	shalt  }
0x79: {  	_ =	shalt  }
0x7a: {  	_ =	shalt  }
0x7b: {  	_ =	shalt  }
0x7c: {  	_ =	shalt  }
0x7d: {  	_ =	shalt  }
0x7e: {  	_ =	shalt  }
0x7f: {  	_ =	shalt  }
0x80: {  	_ =	shalt  }
0x81: {  	_ =	shalt  }
0x82: {  	_ =	shalt  }
0x83: {  	_ =	shalt  }
0x84: {  	_ =	shalt  }
0x85: {  	_ =	shalt  }
0x86: {  	_ =	shalt  }
0x87: {  	_ =	shalt  }
.Lfunc_end0:
.L_simem_size_0:
called_computation.1_lowered:
.L_overlay_start_0:
0x88: {  	s2 =	sld [smem:$0x3FD9]  }
0x89: {  	s3 =	sld [smem:$0x3FFE];
	_ =	sdelay $0x1  }
0x8a: {  	s1 =	srdreg.scid  }
0x8b: {  	s0 =	sand.u32 $0x1, s1  }
0x8c: {  	s16 =	sshll.u32 s0, $0xA;
	s2 =	sadd.s32 s3, s2  }
0x8d: {  	s2 =	sadd.s32 s2, s16  }
0x8e: {  	[smem:$0x3FC4] =	sst s2  }
0x8f: {  	_ = 	snop  }
0x90: {  	(tm) =	ssettm $0x1  }
0x91: {  	s17 =	sld [smem:$0x3FFB];
	_ =	sdelay $0x3  }
0x92: {  	_ =	strace s17  }
0x93: {  	s2 =	sld [smem:$0x3FFC];
	_ =	sdelay $0x3  }
0x94: {  	_ =	strace s2  }
0x95: {  	s2 =	sld [smem:$0x3FFD];
	_ =	sdelay $0x3  }
0x96: {  	_ =	strace s2  }
0x97: {  	_ =	strace $0x8FFFFFFF  }
0x98: {  	s18 =	sld [smem:$0x3FDB];
	_ =	sdelay $0x1  }
0x99: {  	s19 =	simm.s32 $_scs_section_size  }
0x9a: {  	s4 =	simm.s32 $_size__tile_overlayer_lowered;
	s5 =	simm.s32 $_tile_overlayer_lowered  }
0x9b: {  	s22 =	simm.s32 $0x1BFF;
	s21 =	sshll.u32 s5, $0x1;
	s2 =	sadd.s32 s19, s18  }
0x9c: {  	s6 =	simm.s32 $0x0;
	s20 =	sshll.u32 s4, $0x1;
	s4 =	sadd.s32 s21, s2  }
0x9d: {  	[timem:s6], [sflag:s22] =	dma.local [hbm:s4], s20  }
0x9e: {  	_ =	swait.ge [sflag:s22], s20  }
0x9f: {  	s3 =	ssub.s32 $0x0, s20;
	[sflag:s22] =	ssyncset.done $0x0  }
0xa0: {  	[sflag:s22] =	ssyncadd.s32 s3;
	_ =	sdelay $0x1  }
0xa1: {  	s23 =	simm.s32 $0x1B8B  }
0xa2: {  	_ =	swait.ge [sflag:s23], $0x1  }
0xa3: {  	[sflag:s23] =	ssyncset.done $0x0  }
0xa4: {  	s25 =	simm.s32 $0x1B8E;
	s24 =	sld [smem:$0x3FFE];
	[sflag:s23] =	ssyncadd.s32 $0xFFFFFFFF  }
0xa5: {  	s26 =	simm.s32 $execute0_lowered;
	[smem:$0x3FD2] =	sst s25  }
0xa6: {  	s4 =	sshll.u32 s26, $0x1;
	_ =	strace $0x80000049;
	[dreg:$0x1] =	wrdreg $0xFFFFFFFF  }
0xa7: {  	s28 =	simm.s32 $_size_execute0_lowered;
	s2 =	sadd.s32 s2, s4;
	[dreg:$0x0] =	wrdreg $0x0  }
0xa8: {  	s4 =	sshll.u32 s28, $0x1;
	[dreg:$0x2] =	wrdreg s2  }
0xa9: {  	[dreg:$0x3] =	wrdreg s4  }
0xaa: {  	[dreg:$0x4] =	wrdreg $0xC0  }
0xab: {  	_ =	task [dreg:s6], $0x5FFFF  }
0xac: {  	[dreg:$0x1] =	wrdreg $0xFFFFFFFF  }
0xad: {  	[dreg:$0x0] =	wrdreg $0x60  }
0xae: {  	[dreg:$0x2] =	wrdreg s24  }
0xaf: {  	[dreg:$0x3] =	wrdreg $0x90000  }
0xb0: {  	[dreg:$0x4] =	wrdreg $0x130000  }
0xb1: {  	[dreg:$0x5] =	wrdreg $0x9  }
0xb2: {  	_ =	task.clear_ibuf [dreg:s6], $0x6FFFF;
	_ =	strace $0x90000049  }
0xb3: {  	s29 =	simm.s32 $0x9;
	_ =	strace $0x8000004B  }
0xb4: {  	_ =	swait.ge [sflag:s29], $0x1  }
0xb5: {  	[sflag:s29] =	ssyncadd.s32 $0xFFFFFFFF  }
0xb6: {  	_ =	strace $0x9000004B  }
0xb7: {  	_ =	sfence  }
0xb8: {  	s30 =	sld [smem:$0x0];
	_ =	sdelay $0x2  }
0xb9: {  	s31 =	sshll.u32 s1, $0xD;
	s1 =	sshrl.u32 s1, $0x2  }
0xba: {  	s3 =	sand.u32 $0x4000, s31;
	s1 =	sadd.s32 s1, s30  }
0xbb: {  	s0 =	sor.u32 s3, s0;
	s1 =	sshll.u32 s1, $0x11  }
0xbc: {  	s0 =	sor.u32 s1, s0  }
0xbd: {  	s0 =	sadd.s32 $0x8F2B, s0  }
0xbe: {  	[sflag:s0] =	ssyncadd.remote.s32 $0x1  }
0xbf: {  	_ =	sfence.sel $0xFFFF  }
0xc0: {  	[dreg:$0x0] =	wrdreg $0xFFFFFFFF;
	(pc) =	sbr.abs _section_cstart, $3  }
0xc1: {  	[dreg:$0x1] =	wrdreg $0xFFFFFFFF  }
0xc2: {  	_ =	task.clear_ibuf [dreg:s6], $0x2FFFF;
	_ =	strace $0x9FFFFFFF  }
0xc3: {  	(tm) =	ssettm $0x7FFFFFFF  }
tec
execute0_lowered:
.L_overlay_start_1:
0x0: {  	(tag) =	ssettag $0x1  }
0x1: {  	s5 =	rddreg [dreg:$0x0]  }
0x2: {  	s2 =	rddreg [dreg:$0x1]  }
0x3: {  	s3 =	rddreg [dreg:$0x2];
	s1 =	stileid.u32  }
0x4: {  	s7 =	srdreg.scid;
	s4 =	simm.s32 $0x0;
	s19 =	simm.s32 $0x3  }
0x5: {  	s20 =	simm.s32 $0x5000;
	s21 =	simm.s32 $0x2800;
	s22 =	simm.s32 $0x80  }
0x6: {  	s23 =	simm.s32 $0x7000;
	s24 =	simm.s32 $0x1;
	s6 =	smul.u32 $0x5000, s1  }
0x7: {  	s28 =	simm.s32 $0x4F00;
	s29 =	simm.s32 $0x4F80;
	s9 =	smul.u32 $0xA000, s1  }
0x8: {  	s7 =	sand.u32 $0x1, s7;
	[smem:$0x7FF] =	sst s4;
	s10 =	smul.u32 $0x28000, s1  }
0x9: {  	s30 =	sshll.u32 s1, $0x6;
	s8 =	smul.u32 $0xA0000, s7;
	s7 =	ssub.s32 $0x2, s7  }
0xa: {  	_ =	strace $0x8000004A;
	s6 =	sshrl.u32 s6, $0x3;
	s26 =	sshrl.u32 s7, $0x1  }
0xb: {  	s18 =	sadd.s32 s9, s2;
	s31 =	sshrl.u32 s10, $0x2;
	s17 =	sadd.s32 s6, s5  }
0xc: {  	s25 =	sadd.s32 s9, s8;
	s12 =	ssub.s32 s7, s26;
	s7 =	sadd.s32 s31, s3  }
0xd: {  	s18 =	sshrl.u32 s18, $0x3;
	s26 =	simm.s32 $0x2;
	s6 =	sshrl.u32 s25, $0x3  }
0xe: {  	s25 =	sadd.s32 s9, s3;
	s9 =	smax.u32 s12, $0x1;
	s10 =	sadd.s32 $0x2000, s7  }
0xf: {  	s12 =	sadd.s32 $0x6000, s7;
	s13 =	sadd.s32 $0x8000, s7;
	s14 =	sadd.s32 $0x1E00, s17  }
0x10: {  	s15 =	sadd.s32 $0xBE00, s17;
	s16 =	sadd.s32 $0x2300, s17;
	s17 =	sadd.s32 $0xC300, s17  }
0x11: {  	s11 =	sadd.s32 s6, s5;
	s6 =	sor.u32 $0x1C03, s30;
	s25 =	sshrl.u32 s25, $0x3  }
0x12: {  	v0 =	vimm.f32 $0.0e+00;
	s5 =	sadd.s32 $0x8DE00, s11;
	s8 =	sadd.s32 $0xB5E00, s11;
	s11 =	sadd.s32 $0x4000, s7  }
.LBB2_1:
0x13: {  	[spmem:s18], [sflag:s6] =	dma.local [hbm:s5], $0x1400  }
0x14: {  	_ =	swait.ge [sflag:s19], $0x1400  }
0x15: {  	[sflag:s19] =	ssyncset.done $0x0  }
0x16: {  	s31 =	simm.s32 $0x100;
	s30 =	simm.s32 $0x0;
	[sflag:s19] =	ssyncadd.s32 $0xFFFFEC00  }
.LBB2_2:
0x17: {  	p0 =	sne.s32 s31, $0x7F00;
	[tilespmem:s30+$0x5030] =	vst v0;
	s0 =	smov.u32 s31;
	s31 =	sadd.s32 $0x100, s31  }
.Ltmp0:
0x18: {  	[tilespmem:s30+$0x5020] =	vst v0;
	(pc) =	sbr.rel @p0 .LBB2_2-.Ltmp0, $3  }
0x19: {  	[tilespmem:s30+$0x5000] =	vst v0  }
0x1a: {  	[tilespmem:s30+$0x5010] =	vst v0;
	_ =	sdelay $0x1  }
0x1b: {  	s30 =	sshra.s32 s0, $0x2  }
0x1c: {  	[tilespmem:s30+$0x5030] =	vst v0  }
0x1d: {  	[tilespmem:s30+$0x5020] =	vst v0  }
0x1e: {  	[tilespmem:s30+$0x5000] =	vst v0  }
0x1f: {  	[tilespmem:s30+$0x5010] =	vst v0  }
0x20: {  	[spmem:s7] =	stream.linear.scatter [tilespmem:s20], [sflag:$0x3], $0x2000, $0x38;
	[tilespmem:$0x1D000] =	vst v63  }
0x21: {  	_ =	swait.ge [sflag:s19], $0x2000  }
0x22: {  	[sflag:s19] =	ssyncset.done $0x0  }
0x23: {  	[sflag:s19] =	ssyncadd.s32 $0xFFFFE000  }
0x24: {  	[spmem:s10] =	stream.linear.scatter [tilespmem:s20], [sflag:$0x3], $0x2000, $0x38;
	[tilespmem:$0x1D000] =	vst v63  }
0x25: {  	_ =	swait.ge [sflag:s19], $0x2000  }
0x26: {  	[sflag:s19] =	ssyncset.done $0x0  }
0x27: {  	[sflag:s19] =	ssyncadd.s32 $0xFFFFE000  }
0x28: {  	[spmem:s11] =	stream.linear.scatter [tilespmem:s20], [sflag:$0x3], $0x2000, $0x38;
	[tilespmem:$0x1D000] =	vst v63  }
0x29: {  	_ =	swait.ge [sflag:s19], $0x2000  }
0x2a: {  	[sflag:s19] =	ssyncset.done $0x0  }
0x2b: {  	[sflag:s19] =	ssyncadd.s32 $0xFFFFE000  }
0x2c: {  	[spmem:s12] =	stream.linear.scatter [tilespmem:s20], [sflag:$0x3], $0x2000, $0x38;
	[tilespmem:$0x1D000] =	vst v63  }
0x2d: {  	_ =	swait.ge [sflag:s19], $0x2000  }
0x2e: {  	[sflag:s19] =	ssyncset.done $0x0  }
0x2f: {  	[sflag:s19] =	ssyncadd.s32 $0xFFFFE000  }
0x30: {  	[spmem:s13] =	stream.linear.scatter [tilespmem:s20], [sflag:$0x3], $0x2000, $0x38;
	[tilespmem:$0x1D000] =	vst v63  }
0x31: {  	_ =	swait.ge [sflag:s19], $0x2000  }
0x32: {  	[sflag:s19] =	ssyncset.done $0x0  }
0x33: {  	[sflag:s19] =	ssyncadd.s32 $0xFFFFE000  }
0x34: {  	s0 =	simm.s32 $0x0;
	[bflag:$0x0] =	sbarrier.arrive $0xFFFF  }
0x35: {  	[tilespmem:s0], [sflag:$0x3] =	stream.linear.gather [hbm4b:s14+s0], $0x2800, $0x38;
	[tilespmem:$0x1D000] =	vst v63  }
0x36: {  	_ =	swait.ge [sflag:s19], $0x2800  }
0x37: {  	[sflag:s19] =	ssyncset.done $0x0  }
0x38: {  	[sflag:s19] =	ssyncadd.s32 $0xFFFFD800  }
0x39: {  	[tilespmem:s21], [sflag:$0x3] =	stream.linear.gather [hbm4b:s15+s0], $0x2800, $0x38;
	[tilespmem:$0x1D000] =	vst v63  }
0x3a: {  	_ =	swait.ge [sflag:s19], $0x2800  }
0x3b: {  	[sflag:s19] =	ssyncset.done $0x0  }
0x3c: {  	[sflag:s19] =	ssyncadd.s32 $0xFFFFD800  }
0x3d: {  	[tilespmem:s20], [sflag:$0x1] =	stream.indirect.gather [spmem:s2], $0x40, s0, s22, $0xb8;
	[tilespmem:$0x1D000] =	vst v63  }
0x3e: {  	_ = 	snop  }
0x3f: {  	[tilespmem:s23], [sflag:$0x2] =	stream.indirect.gather [spmem:s2], $0x40, s22, s22, $0xb8;
	[tilespmem:$0x1D000] =	vst v63  }
0x40: {  	_ =	swait.ge [sflag:s24], $0x2000  }
0x41: {  	[sflag:s24] =	ssyncset.done $0x0  }
0x42: {  	s0 =	simm.s32 $0x2800;
	[sflag:s24] =	ssyncadd.s32 $0xFFFFE000  }
0x43: {  	[spmem:s3] =	stream.indirect.scatter.add.f32 [tilespmem:s20], [sflag:$0x3], $0x40, s0, s22, $0xb8;
	[tilespmem:$0x1D000] =	vst v63  }
0x44: {  	_ =	swait.ge [sflag:s19], $0x2000  }
0x45: {  	[sflag:s19] =	ssyncset.done $0x0  }
0x46: {  	s0 =	simm.s32 $0x100;
	[sflag:s19] =	ssyncadd.s32 $0xFFFFE000  }
0x47: {  	[tilespmem:s20], [sflag:$0x1] =	stream.indirect.gather [spmem:s2], $0x40, s0, s22, $0xb8;
	[tilespmem:$0x1D000] =	vst v63  }
0x48: {  	_ =	swait.ge [sflag:s26], $0x2000  }
0x49: {  	[sflag:s26] =	ssyncset.done $0x0  }
0x4a: {  	s0 =	simm.s32 $0x2880;
	[sflag:s26] =	ssyncadd.s32 $0xFFFFE000  }
0x4b: {  	[spmem:s3] =	stream.indirect.scatter.add.f32 [tilespmem:s23], [sflag:$0x3], $0x40, s0, s22, $0xb8;
	[tilespmem:$0x1D000] =	vst v63  }
0x4c: {  	_ =	swait.ge [sflag:s19], $0x2000  }
0x4d: {  	[sflag:s19] =	ssyncset.done $0x0  }
0x4e: {  	s30 =	simm.s32 $0x400;
	s31 =	simm.s32 $0x180;
	[sflag:s19] =	ssyncadd.s32 $0xFFFFE000  }
.LBB2_4:
0x4f: {  	[tilespmem:s23], [sflag:$0x2] =	stream.indirect.gather [spmem:s2], $0x40, s31, s22, $0xb8;
	[tilespmem:$0x1D000] =	vst v63  }
0x50: {  	s0 =	smov.u32 s30  }
0x51: {  	p0 =	sne.s32 s30, $0x9800;
	s30 =	sadd.s32 $0x400, s30;
	_ =	swait.ge [sflag:s24], $0x2000  }
0x52: {  	s0 =	sshra.s32 s0, $0x2;
	[sflag:s24] =	ssyncset.done $0x0  }
0x53: {  	s31 =	sadd.s32 $0x2800, s0;
	[sflag:s24] =	ssyncadd.s32 $0xFFFFE000  }
0x54: {  	[spmem:s3] =	stream.indirect.scatter.add.f32 [tilespmem:s20], [sflag:$0x3], $0x40, s31, s22, $0xb8;
	[tilespmem:$0x1D000] =	vst v63  }
0x55: {  	_ =	swait.ge [sflag:s19], $0x2000  }
0x56: {  	[sflag:s19] =	ssyncset.done $0x0  }
0x57: {  	s31 =	sadd.s32 $0x100, s0;
	[sflag:s19] =	ssyncadd.s32 $0xFFFFE000  }
0x58: {  	[tilespmem:s20], [sflag:$0x1] =	stream.indirect.gather [spmem:s2], $0x40, s31, s22, $0xb8;
	[tilespmem:$0x1D000] =	vst v63  }
0x59: {  	_ =	swait.ge [sflag:s26], $0x2000  }
0x5a: {  	[sflag:s26] =	ssyncset.done $0x0  }
.Ltmp1:
0x5b: {  	s31 =	sadd.s32 $0x2880, s0;
	[sflag:s26] =	ssyncadd.s32 $0xFFFFE000;
	(pc) =	sbr.rel @p0 .LBB2_4-.Ltmp1, $4  }
0x5c: {  	[spmem:s3] =	stream.indirect.scatter.add.f32 [tilespmem:s23], [sflag:$0x3], $0x40, s31, s22, $0xb8;
	[tilespmem:$0x1D000] =	vst v63  }
0x5d: {  	_ =	swait.ge [sflag:s19], $0x2000  }
0x5e: {  	[sflag:s19] =	ssyncset.done $0x0  }
0x5f: {  	s31 =	sadd.s32 $0x180, s0;
	[sflag:s19] =	ssyncadd.s32 $0xFFFFE000  }
0x60: {  	[tilespmem:s23], [sflag:$0x2] =	stream.indirect.gather [spmem:s2], $0x40, s31, s22, $0xb8;
	[tilespmem:$0x1D000] =	vst v63  }
0x61: {  	_ =	swait.ge [sflag:s24], $0x2000  }
0x62: {  	[sflag:s24] =	ssyncset.done $0x0  }
0x63: {  	[sflag:s24] =	ssyncadd.s32 $0xFFFFE000  }
0x64: {  	[spmem:s3] =	stream.indirect.scatter.add.f32 [tilespmem:s20], [sflag:$0x3], $0x40, s28, s22, $0xb8;
	[tilespmem:$0x1D000] =	vst v63  }
0x65: {  	_ =	swait.ge [sflag:s19], $0x2000  }
0x66: {  	[sflag:s19] =	ssyncset.done $0x0  }
0x67: {  	[sflag:s19] =	ssyncadd.s32 $0xFFFFE000  }
0x68: {  	_ =	swait.ge [sflag:s26], $0x2000  }
0x69: {  	[sflag:s26] =	ssyncset.done $0x0  }
0x6a: {  	[sflag:s26] =	ssyncadd.s32 $0xFFFFE000  }
0x6b: {  	[spmem:s3] =	stream.indirect.scatter.add.f32 [tilespmem:s23], [sflag:$0x3], $0x40, s29, s22, $0xb8;
	[tilespmem:$0x1D000] =	vst v63  }
0x6c: {  	_ =	swait.ge [sflag:s19], $0x2000  }
0x6d: {  	[sflag:s19] =	ssyncset.done $0x0  }
0x6e: {  	s0 =	simm.s32 $0x0;
	[sflag:s19] =	ssyncadd.s32 $0xFFFFE000  }
0x6f: {  	[tilespmem:s0], [sflag:$0x3] =	stream.linear.gather [hbm4b:s16+s0], $0x2800, $0x38;
	[tilespmem:$0x1D000] =	vst v63  }
0x70: {  	_ =	swait.ge [sflag:s19], $0x2800  }
0x71: {  	[sflag:s19] =	ssyncset.done $0x0  }
0x72: {  	[sflag:s19] =	ssyncadd.s32 $0xFFFFD800  }
0x73: {  	[tilespmem:s21], [sflag:$0x3] =	stream.linear.gather [hbm4b:s17+s0], $0x2800, $0x38;
	[tilespmem:$0x1D000] =	vst v63  }
0x74: {  	_ =	swait.ge [sflag:s19], $0x2800  }
0x75: {  	[sflag:s19] =	ssyncset.done $0x0  }
0x76: {  	[sflag:s19] =	ssyncadd.s32 $0xFFFFD800  }
0x77: {  	[tilespmem:s20], [sflag:$0x1] =	stream.indirect.gather [spmem:s2], $0x40, s0, s22, $0xb8;
	[tilespmem:$0x1D000] =	vst v63  }
0x78: {  	_ = 	snop  }
0x79: {  	[tilespmem:s23], [sflag:$0x2] =	stream.indirect.gather [spmem:s2], $0x40, s22, s22, $0xb8;
	[tilespmem:$0x1D000] =	vst v63  }
0x7a: {  	_ =	swait.ge [sflag:s24], $0x2000  }
0x7b: {  	[sflag:s24] =	ssyncset.done $0x0  }
0x7c: {  	s0 =	simm.s32 $0x2800;
	[sflag:s24] =	ssyncadd.s32 $0xFFFFE000  }
0x7d: {  	[spmem:s3] =	stream.indirect.scatter.add.f32 [tilespmem:s20], [sflag:$0x3], $0x40, s0, s22, $0xb8;
	[tilespmem:$0x1D000] =	vst v63  }
0x7e: {  	_ =	swait.ge [sflag:s19], $0x2000  }
0x7f: {  	[sflag:s19] =	ssyncset.done $0x0  }
0x80: {  	s0 =	simm.s32 $0x100;
	[sflag:s19] =	ssyncadd.s32 $0xFFFFE000  }
0x81: {  	[tilespmem:s20], [sflag:$0x1] =	stream.indirect.gather [spmem:s2], $0x40, s0, s22, $0xb8;
	[tilespmem:$0x1D000] =	vst v63  }
0x82: {  	_ =	swait.ge [sflag:s26], $0x2000  }
0x83: {  	[sflag:s26] =	ssyncset.done $0x0  }
0x84: {  	s0 =	simm.s32 $0x2880;
	[sflag:s26] =	ssyncadd.s32 $0xFFFFE000  }
0x85: {  	[spmem:s3] =	stream.indirect.scatter.add.f32 [tilespmem:s23], [sflag:$0x3], $0x40, s0, s22, $0xb8;
	[tilespmem:$0x1D000] =	vst v63  }
0x86: {  	_ =	swait.ge [sflag:s19], $0x2000  }
0x87: {  	[sflag:s19] =	ssyncset.done $0x0  }
0x88: {  	s30 =	simm.s32 $0x400;
	s31 =	simm.s32 $0x180;
	[sflag:s19] =	ssyncadd.s32 $0xFFFFE000  }
.LBB2_6:
0x89: {  	[tilespmem:s23], [sflag:$0x2] =	stream.indirect.gather [spmem:s2], $0x40, s31, s22, $0xb8;
	[tilespmem:$0x1D000] =	vst v63  }
0x8a: {  	s0 =	smov.u32 s30  }
0x8b: {  	p0 =	sne.s32 s30, $0x9800;
	s30 =	sadd.s32 $0x400, s30;
	_ =	swait.ge [sflag:s24], $0x2000  }
0x8c: {  	s0 =	sshra.s32 s0, $0x2;
	[sflag:s24] =	ssyncset.done $0x0  }
0x8d: {  	s31 =	sadd.s32 $0x2800, s0;
	[sflag:s24] =	ssyncadd.s32 $0xFFFFE000  }
0x8e: {  	[spmem:s3] =	stream.indirect.scatter.add.f32 [tilespmem:s20], [sflag:$0x3], $0x40, s31, s22, $0xb8;
	[tilespmem:$0x1D000] =	vst v63  }
0x8f: {  	_ =	swait.ge [sflag:s19], $0x2000  }
0x90: {  	[sflag:s19] =	ssyncset.done $0x0  }
0x91: {  	s31 =	sadd.s32 $0x100, s0;
	[sflag:s19] =	ssyncadd.s32 $0xFFFFE000  }
0x92: {  	[tilespmem:s20], [sflag:$0x1] =	stream.indirect.gather [spmem:s2], $0x40, s31, s22, $0xb8;
	[tilespmem:$0x1D000] =	vst v63  }
0x93: {  	_ =	swait.ge [sflag:s26], $0x2000  }
0x94: {  	[sflag:s26] =	ssyncset.done $0x0  }
.Ltmp2:
0x95: {  	s31 =	sadd.s32 $0x2880, s0;
	[sflag:s26] =	ssyncadd.s32 $0xFFFFE000;
	(pc) =	sbr.rel @p0 .LBB2_6-.Ltmp2, $4  }
0x96: {  	[spmem:s3] =	stream.indirect.scatter.add.f32 [tilespmem:s23], [sflag:$0x3], $0x40, s31, s22, $0xb8;
	[tilespmem:$0x1D000] =	vst v63  }
0x97: {  	_ =	swait.ge [sflag:s19], $0x2000  }
0x98: {  	[sflag:s19] =	ssyncset.done $0x0  }
0x99: {  	s31 =	sadd.s32 $0x180, s0;
	[sflag:s19] =	ssyncadd.s32 $0xFFFFE000  }
0x9a: {  	[tilespmem:s23], [sflag:$0x2] =	stream.indirect.gather [spmem:s2], $0x40, s31, s22, $0xb8;
	[tilespmem:$0x1D000] =	vst v63  }
0x9b: {  	_ =	swait.ge [sflag:s24], $0x2000  }
0x9c: {  	[sflag:s24] =	ssyncset.done $0x0  }
0x9d: {  	[sflag:s24] =	ssyncadd.s32 $0xFFFFE000  }
0x9e: {  	[spmem:s3] =	stream.indirect.scatter.add.f32 [tilespmem:s20], [sflag:$0x3], $0x40, s28, s22, $0xb8;
	[tilespmem:$0x1D000] =	vst v63  }
0x9f: {  	_ =	swait.ge [sflag:s19], $0x2000  }
0xa0: {  	[sflag:s19] =	ssyncset.done $0x0  }
0xa1: {  	[sflag:s19] =	ssyncadd.s32 $0xFFFFE000  }
0xa2: {  	_ =	swait.ge [sflag:s26], $0x2000  }
0xa3: {  	[sflag:s26] =	ssyncset.done $0x0  }
0xa4: {  	[sflag:s26] =	ssyncadd.s32 $0xFFFFE000  }
0xa5: {  	[spmem:s3] =	stream.indirect.scatter.add.f32 [tilespmem:s23], [sflag:$0x3], $0x40, s29, s22, $0xb8;
	[tilespmem:$0x1D000] =	vst v63  }
0xa6: {  	_ =	swait.ge [sflag:s19], $0x2000  }
0xa7: {  	s4 =	sadd.s32 $0x1, s4;
	[sflag:s19] =	ssyncset.done $0x0  }
0xa8: {  	p0 =	sne.s32 s4, s9;
	[sflag:s19] =	ssyncadd.s32 $0xFFFFE000  }
.Ltmp3:
0xa9: {  	[bflag:$0x0] =	sbarrier.arrive $0xFFFF;
	(pc) =	sbr.rel @p0 .LBB2_1-.Ltmp3, $4  }
0xaa: {  	[hbm:s8], [sflag:s6] =	dma.local [spmem:s25], $0x1400  }
0xab: {  	_ =	swait.ge [sflag:s19], $0x1400  }
0xac: {  	[sflag:s19] =	ssyncset.done $0x0  }
0xad: {  	[sflag:s19] =	ssyncadd.s32 $0xFFFFEC00  }
0xae: {  	_ =	sfence.sel $0x180000  }
0xaf: {  	[bflag:$0x0] =	sbarrier.arrive $0xFFFF  }
0xb0: {  	_ =	strace $0x9000004A  }
0xb1: {  	[bflag:$0x2] =	sbarrier.arrive $0xFFFF  }
0xb2: {  	p0 =	sne.s32 s1, $0x0;
	s0 =	rddreg [dreg:$0x3]  }
0xb3: {  	s0 =	sadd.s32 @!p0 $0x100000, s0  }
0xb4: {  	[sflag:s0] =	ssyncadd.tile.s32 @!p0 $0x1;
	_ =	shalt  }
.Lfunc_end2:
_tile_overlayer_lowered:
.L_overlay_start_2:
0xb5: {  	(tag) =	ssettag $0x2  }
0xb6: {  	s0 =	rddreg [dreg:$0x0];
	s2 =	stileid.u32  }
0xb7: {  	s1 =	rddreg [dreg:$0x1];
	p0 =	sne.s32 s2, $0x0  }
0xb8: {  	s3 =	rddreg [dreg:$0x2];
	[bflag:$0x3] =	sbarrier.arrive $0xFFFF;
	s2 =	simm.s32 @!p0 $0x1C03  }
0xb9: {  	[timem:s3], [sflag:s2] =	dma.local @!p0 [hbm:s0], s1  }
0xba: {  	s0 =	simm.s32 @!p0 $0x3  }
0xbb: {  	_ =	swait.ge @!p0 [sflag:s0], s1  }
0xbc: {  	s1 =	ssub.s32 @!p0 $0x0, s1;
	[sflag:s0] =	ssyncset.done @!p0 $0x0  }
0xbd: {  	[sflag:s0] =	ssyncadd.s32 @!p0 s1  }
0xbe: {  	[bflag:$0x3] =	sbarrier.arrive $0xFFFF  }
0xbf: {  	_ =	shalt  }

// kernel: kernel.14.cloned.1.call-start
scs
__scs_entry_jumppad:
0x0: {  	(pc) =	sbr.rel $0x88, $3  }
0x1: {  	(tag) =	ssettag $0x0;
	lr =	simm.s32 $0x1  }
0x2: {  	[smem:$0x3F9D] =	sst lr;
	_ =	strace $0xD0000000  }
0x3: {  	_ = 	snop  }
0x4: {  	_ = 	snop  }
0x5: {  	_ = 	snop  }
0x6: {  	_ = 	snop  }
0x7: {  	_ = 	snop  }
__scs_overlays_trampoline_lowered:
0x8: {  	[smem:$0x3FAC] =	sst s0  }
0x9: {  	[smem:$0x3FAD] =	sst s1  }
0xa: {  	[smem:$0x3FAE] =	sst s2  }
0xb: {  	[smem:$0x3FAF] =	sst s3  }
0xc: {  	[smem:$0x3FB0] =	sst s4  }
0xd: {  	[smem:$0x3FB1] =	sst s5  }
0xe: {  	[smem:$0x3FB2] =	sst s6  }
0xf: {  	[smem:$0x3FB3] =	sst s7  }
0x10: {  	[smem:$0x3FB4] =	sst s8  }
0x11: {  	[smem:$0x3FB5] =	sst s9;
	s0 =	simm.s32 @!p0 $0x0  }
0x12: {  	s1 =	sld [smem:$0x3F9B];
	s0 =	simm.s32 @p0 $0x1  }
0x13: {  	[smem:$0x3FB6] =	sst s0;
	s0 =	simm.s32 @!p1 $0x0  }
0x14: {  	s2 =	sld [smem:$0x3F9A];
	s0 =	simm.s32 @p1 $0x1  }
0x15: {  	[smem:$0x3FB7] =	sst s0;
	s0 =	simm.s32 @!p2 $0x0  }
0x16: {  	s3 =	sld [smem:$0x3FDB];
	s0 =	simm.s32 @p2 $0x1  }
0x17: {  	s4 =	simm.s32 $0x1BF5;
	[smem:$0x3FB9] =	sst s0  }
0x18: {  	s0 =	sld [smem:$0x3F9C];
	_ =	swait.ge [sflag:s4], $0x0  }
0x19: {  	s7 =	sld [smem:$0x3F9D]  }
0x1a: {  	s8 =	sadd.s32 $0xFFFFE003, lr  }
0x1b: {  	s9 =	sadd.s32 $0xFFFFFEF7, lr;
	s5 =	simm.s32 $0xFFFFFFFF;
	p2 =	slt.u32 s8, $0xFFFFF086  }
0x1c: {  	p1 =	slt.u32 s9, $0xF7A;
	s5 =	simm.s32 @!p2 $0x0  }
0x1d: {  	s5 =	simm.s32 @p1 $0x1;
	p0 =	seq.s32 s7, s2  }
0x1e: {  	s7 =	smul.u32 @!p0 $0xF7A, s2;
	p2 =	seq.s32 @!p0 s5, $0x0  }
0x1f: {  	s9 =	smul.u32 $0xF7A, s1;
	s8 =	simm.s32 @!p0 $0x1BF5;
	p2 =	por !p2, p0  }
0x20: {  	[sflag:s8] =	ssyncset.s32 @!p0 $0xFFFFF086;
	s6 =	sadd.s32 @!p0 s3, s7;
	s7 =	simm.s32 @!p0 $0x108  }
0x21: {  	s3 =	sadd.s32 s3, s9;
	s6 =	sadd.s32 @!p0 $0x88, s6;
	s7 =	simm.s32 @p2 $0x1082  }
0x22: {  	[simem:s7], [sflag:s8] =	dma.local @!p0 [hbm:s6], $0xF7A  }
0x23: {  	s9 =	sor.u32 $0xD0000000, s2;
	s6 =	simm.s32 $0x108;
	_ =	swait.ge @!p0 [sflag:s8], $0x0  }
0x24: {  	s3 =	sadd.s32 $0x88, s3;
	s6 =	simm.s32 @!p1 $0x1082;
	[sflag:s4] =	ssyncset.s32 $0xFFFFF086  }
0x25: {  	[simem:s6], [sflag:s4] =	dma.local [hbm:s3], $0xF7A  }
0x26: {  	[smem:$0x3F9D] =	sst s1;
	(tag) =	ssettag s2;
	_ =	strace s9  }
0x27: {  	s1 =	sld [smem:$0x3FAD]  }
0x28: {  	s2 =	sld [smem:$0x3FAE]  }
0x29: {  	s4 =	sld [smem:$0x3FB0]  }
0x2a: {  	p0 =	seq.s32 s5, $0x0;
	s5 =	sld [smem:$0x3FB1]  }
0x2b: {  	s6 =	sld [smem:$0x3FB2]  }
0x2c: {  	s7 =	sld [smem:$0x3FB3]  }
0x2d: {  	s3 =	simm.s32 $0x108;
	s8 =	sld [smem:$0x3FB4]  }
0x2e: {  	s3 =	simm.s32 @!p0 $0x1082;
	s9 =	sld [smem:$0x3FB5]  }
0x2f: {  	lr =	sadd.s32 s0, s3;
	s0 =	sld [smem:$0x3FAC]  }
0x30: {  	s3 =	sld [smem:$0x3FAF]  }
0x31: {  	[smem:$0x3FB8] =	sst s10  }
0x32: {  	s10 =	sld [smem:$0x3FB6];
	_ =	sdelay $0x3  }
0x33: {  	p0 =	seq.s32 s10, $0x1;
	s10 =	sld [smem:$0x3FB8];
	_ =	sdelay $0x3  }
0x34: {  	[smem:$0x3FB8] =	sst s10  }
0x35: {  	s10 =	sld [smem:$0x3FB7];
	_ =	sdelay $0x3  }
0x36: {  	p1 =	seq.s32 s10, $0x1;
	s10 =	sld [smem:$0x3FB8];
	_ =	sdelay $0x3  }
0x37: {  	[smem:$0x3FB8] =	sst s10  }
0x38: {  	s10 =	sld [smem:$0x3FB9]  }
0x39: {  	_ = 	snop;
	(pc) =	sbr.ind lr, $3  }
0x3a: {  	_ = 	snop  }
0x3b: {  	_ = 	snop  }
0x3c: {  	p2 =	seq.s32 s10, $0x1;
	s10 =	sld [smem:$0x3FB8]  }
0x3d: {  	_ =	shalt  }
0x3e: {  	_ =	shalt  }
0x3f: {  	_ =	shalt  }
0x40: {  	_ =	shalt  }
0x41: {  	_ =	shalt  }
0x42: {  	_ =	shalt  }
0x43: {  	_ =	shalt  }
0x44: {  	_ =	shalt  }
0x45: {  	_ =	shalt  }
0x46: {  	_ =	shalt  }
0x47: {  	_ =	shalt  }
0x48: {  	_ =	shalt  }
0x49: {  	_ =	shalt  }
0x4a: {  	_ =	shalt  }
0x4b: {  	_ =	shalt  }
0x4c: {  	_ =	shalt  }
0x4d: {  	_ =	shalt  }
0x4e: {  	_ =	shalt  }
0x4f: {  	_ =	shalt  }
0x50: {  	_ =	shalt  }
0x51: {  	_ =	shalt  }
0x52: {  	_ =	shalt  }
0x53: {  	_ =	shalt  }
0x54: {  	_ =	shalt  }
0x55: {  	_ =	shalt  }
0x56: {  	_ =	shalt  }
0x57: {  	_ =	shalt  }
0x58: {  	_ =	shalt  }
0x59: {  	_ =	shalt  }
0x5a: {  	_ =	shalt  }
0x5b: {  	_ =	shalt  }
0x5c: {  	_ =	shalt  }
0x5d: {  	_ =	shalt  }
0x5e: {  	_ =	shalt  }
0x5f: {  	_ =	shalt  }
0x60: {  	_ =	shalt  }
0x61: {  	_ =	shalt  }
0x62: {  	_ =	shalt  }
0x63: {  	_ =	shalt  }
0x64: {  	_ =	shalt  }
0x65: {  	_ =	shalt  }
0x66: {  	_ =	shalt  }
0x67: {  	_ =	shalt  }
0x68: {  	_ =	shalt  }
0x69: {  	_ =	shalt  }
0x6a: {  	_ =	shalt  }
0x6b: {  	_ =	shalt  }
0x6c: {  	_ =	shalt  }
0x6d: {  	_ =	shalt  }
0x6e: {  	_ =	shalt  }
0x6f: {  	_ =	shalt  }
0x70: {  	_ =	shalt  }
0x71: {  	_ =	shalt  }
0x72: {  	_ =	shalt  }
0x73: {  	_ =	shalt  }
0x74: {  	_ =	shalt  }
0x75: {  	_ =	shalt  }
0x76: {  	_ =	shalt  }
0x77: {  	_ =	shalt  }
0x78: {  	_ =	shalt  }
0x79: {  	_ =	shalt  }
0x7a: {  	_ =	shalt  }
0x7b: {  	_ =	shalt  }
0x7c: {  	_ =	shalt  }
0x7d: {  	_ =	shalt  }
0x7e: {  	_ =	shalt  }
0x7f: {  	_ =	shalt  }
0x80: {  	_ =	shalt  }
0x81: {  	_ =	shalt  }
0x82: {  	_ =	shalt  }
0x83: {  	_ =	shalt  }
0x84: {  	_ =	shalt  }
0x85: {  	_ =	shalt  }
0x86: {  	_ =	shalt  }
0x87: {  	_ =	shalt  }
.Lfunc_end0:
.L_simem_size_0:
called_computation.2_lowered:
.L_overlay_start_0:
0x88: {  	s2 =	sld [smem:$0x3FD9]  }
0x89: {  	s3 =	sld [smem:$0x3FFE];
	_ =	sdelay $0x1  }
0x8a: {  	s1 =	srdreg.scid  }
0x8b: {  	s0 =	sand.u32 $0x1, s1  }
0x8c: {  	s16 =	sshll.u32 s0, $0xA;
	s2 =	sadd.s32 s3, s2  }
0x8d: {  	s2 =	sadd.s32 s2, s16  }
0x8e: {  	[smem:$0x3FC4] =	sst s2  }
0x8f: {  	_ = 	snop  }
0x90: {  	(tm) =	ssettm $0x1  }
0x91: {  	s17 =	sld [smem:$0x3FFB];
	_ =	sdelay $0x3  }
0x92: {  	_ =	strace s17  }
0x93: {  	s2 =	sld [smem:$0x3FFC];
	_ =	sdelay $0x3  }
0x94: {  	_ =	strace s2  }
0x95: {  	s2 =	sld [smem:$0x3FFD];
	_ =	sdelay $0x3  }
0x96: {  	_ =	strace s2  }
0x97: {  	_ =	strace $0x8FFFFFFF  }
0x98: {  	s18 =	sld [smem:$0x3FDB];
	_ =	sdelay $0x1  }
0x99: {  	s19 =	simm.s32 $_scs_section_size  }
0x9a: {  	s4 =	simm.s32 $_size__tile_overlayer_lowered;
	s5 =	simm.s32 $_tile_overlayer_lowered  }
0x9b: {  	s22 =	simm.s32 $0x1BFF;
	s21 =	sshll.u32 s5, $0x1;
	s2 =	sadd.s32 s19, s18  }
0x9c: {  	s6 =	simm.s32 $0x0;
	s20 =	sshll.u32 s4, $0x1;
	s4 =	sadd.s32 s21, s2  }
0x9d: {  	[timem:s6], [sflag:s22] =	dma.local [hbm:s4], s20  }
0x9e: {  	_ =	swait.ge [sflag:s22], s20  }
0x9f: {  	s3 =	ssub.s32 $0x0, s20;
	[sflag:s22] =	ssyncset.done $0x0  }
0xa0: {  	[sflag:s22] =	ssyncadd.s32 s3;
	_ =	sdelay $0x1  }
0xa1: {  	s23 =	simm.s32 $0x1B8B  }
0xa2: {  	_ =	swait.ge [sflag:s23], $0x1  }
0xa3: {  	[sflag:s23] =	ssyncset.done $0x0  }
0xa4: {  	s25 =	simm.s32 $0x1B8E;
	s24 =	sld [smem:$0x3FFE];
	[sflag:s23] =	ssyncadd.s32 $0xFFFFFFFF  }
0xa5: {  	s26 =	simm.s32 $execute0_lowered;
	[smem:$0x3FD2] =	sst s25  }
0xa6: {  	s4 =	sshll.u32 s26, $0x1;
	_ =	strace $0x8000004C;
	[dreg:$0x1] =	wrdreg $0xFFFFFFFF  }
0xa7: {  	s28 =	simm.s32 $_size_execute0_lowered;
	s2 =	sadd.s32 s2, s4;
	[dreg:$0x0] =	wrdreg $0x0  }
0xa8: {  	s4 =	sshll.u32 s28, $0x1;
	[dreg:$0x2] =	wrdreg s2  }
0xa9: {  	[dreg:$0x3] =	wrdreg s4  }
0xaa: {  	[dreg:$0x4] =	wrdreg $0xC0  }
0xab: {  	_ =	task [dreg:s6], $0x5FFFF  }
0xac: {  	[dreg:$0x1] =	wrdreg $0xFFFFFFFF  }
0xad: {  	[dreg:$0x0] =	wrdreg $0x60  }
0xae: {  	[dreg:$0x2] =	wrdreg s24  }
0xaf: {  	[dreg:$0x3] =	wrdreg $0x78000  }
0xb0: {  	[dreg:$0x4] =	wrdreg $0xDC000  }
0xb1: {  	[dreg:$0x5] =	wrdreg $0x9  }
0xb2: {  	_ =	task.clear_ibuf [dreg:s6], $0x6FFFF;
	_ =	strace $0x9000004C  }
0xb3: {  	s29 =	simm.s32 $0x9;
	_ =	strace $0x8000004E  }
0xb4: {  	_ =	swait.ge [sflag:s29], $0x1  }
0xb5: {  	[sflag:s29] =	ssyncadd.s32 $0xFFFFFFFF  }
0xb6: {  	_ =	strace $0x9000004E  }
0xb7: {  	_ =	sfence  }
0xb8: {  	s30 =	sld [smem:$0x0];
	_ =	sdelay $0x2  }
0xb9: {  	s31 =	sshll.u32 s1, $0xD;
	s1 =	sshrl.u32 s1, $0x2  }
0xba: {  	s3 =	sand.u32 $0x4000, s31;
	s1 =	sadd.s32 s1, s30  }
0xbb: {  	s0 =	sor.u32 s3, s0;
	s1 =	sshll.u32 s1, $0x11  }
0xbc: {  	s0 =	sor.u32 s1, s0  }
0xbd: {  	s0 =	sadd.s32 $0x8F2B, s0  }
0xbe: {  	[sflag:s0] =	ssyncadd.remote.s32 $0x1  }
0xbf: {  	_ =	sfence.sel $0xFFFF  }
0xc0: {  	[dreg:$0x0] =	wrdreg $0xFFFFFFFF;
	(pc) =	sbr.abs _section_cstart, $3  }
0xc1: {  	[dreg:$0x1] =	wrdreg $0xFFFFFFFF  }
0xc2: {  	_ =	task.clear_ibuf [dreg:s6], $0x2FFFF;
	_ =	strace $0x9FFFFFFF  }
0xc3: {  	(tm) =	ssettm $0x7FFFFFFF  }
tec
execute0_lowered:
.L_overlay_start_1:
0x0: {  	(tag) =	ssettag $0x1  }
0x1: {  	s5 =	rddreg [dreg:$0x0]  }
0x2: {  	s2 =	rddreg [dreg:$0x1]  }
0x3: {  	s3 =	rddreg [dreg:$0x2];
	s4 =	srdreg.scid  }
0x4: {  	s0 =	rddreg [dreg:$0x3];
	s1 =	stileid.u32;
	s17 =	simm.s32 $0x3  }
0x5: {  	s18 =	simm.s32 $0x5000;
	s19 =	simm.s32 $0x2800;
	s20 =	simm.s32 $0x80  }
0x6: {  	s21 =	simm.s32 $0x6400;
	s22 =	simm.s32 $0x1;
	s23 =	simm.s32 $0x2  }
0x7: {  	s24 =	simm.s32 $0x4F00;
	s26 =	simm.s32 $0x4F80;
	s6 =	sand.u32 $0x1, s4  }
0x8: {  	s4 =	simm.s32 $0x0;
	s10 =	smul.u32 $0x6400, s1;
	s30 =	sshll.u32 s1, $0x6  }
0x9: {  	s14 =	smul.u32 $0x19000, s1;
	s7 =	sshll.u32 s6, $0x4;
	[smem:$0x7FF] =	sst s4  }
0xa: {  	s8 =	smul.u32 $0x64000, s6;
	s6 =	ssub.s32 $0x2, s6;
	s7 =	sor.u32 s1, s7  }
0xb: {  	_ =	strace $0x8000004D;
	s9 =	sshrl.u32 s10, $0x3;
	s11 =	sshrl.u32 s6, $0x1  }
0xc: {  	s16 =	sadd.s32 s10, s2;
	s31 =	sshrl.u32 s14, $0x2;
	s25 =	sadd.s32 s10, s3  }
0xd: {  	s7 =	smul.u32 $0x2800, s7;
	s9 =	sadd.s32 s9, s5;
	s8 =	sadd.s32 s10, s8  }
0xe: {  	s11 =	ssub.s32 s6, s11;
	s6 =	sor.u32 $0x1C03, s30;
	s16 =	sshrl.u32 s16, $0x3  }
0xf: {  	s25 =	sshrl.u32 s25, $0x3;
	s8 =	sshrl.u32 s8, $0x3;
	s10 =	smax.u32 s11, $0x1  }
0x10: {  	s11 =	sadd.s32 s31, s3;
	s7 =	sshrl.u32 s7, $0x3;
	s13 =	sadd.s32 s8, s5  }
0x11: {  	s14 =	sadd.s32 $0x3C00, s11;
	s15 =	sadd.s32 $0x5000, s11;
	s12 =	sadd.s32 s7, s5  }
0x12: {  	s5 =	sadd.s32 $0x15E00, s9;
	s9 =	sadd.s32 $0x22600, s13;
	s13 =	sadd.s32 $0x2800, s11  }
0x13: {  	v0 =	vimm.f32 $0.0e+00;
	s7 =	sadd.s32 $0x1E00, s12;
	s8 =	sadd.s32 $0xBE00, s12;
	s12 =	sadd.s32 $0x1400, s11  }
.LBB2_1:
0x14: {  	[spmem:s16], [sflag:s6] =	dma.local [hbm:s5], $0xC80  }
0x15: {  	_ =	swait.ge [sflag:s17], $0xC80  }
0x16: {  	[sflag:s17] =	ssyncset.done $0x0  }
0x17: {  	s29 =	simm.s32 $0x0;
	[sflag:s17] =	ssyncadd.s32 $0xFFFFF380  }
0x18: {  	s28 =	simm.s32 $0xA0;
	[tilespmem:s29+$0x5010] =	vst v0  }
.LBB2_2:
0x19: {  	p0 =	sne.s32 s28, $0x4F60;
	[tilespmem:s29+$0x5018] =	vst v0;
	s30 =	smov.u32 s28;
	s28 =	sadd.s32 $0xA0, s28  }
.Ltmp0:
0x1a: {  	[tilespmem:s29+$0x5000] =	vst v0;
	(pc) =	sbr.rel @p0 .LBB2_2-.Ltmp0, $3  }
0x1b: {  	_ =	sdelay $0x1  }
0x1c: {  	s29 =	sshra.s32 s30, $0x2  }
0x1d: {  	[tilespmem:s29+$0x5010] =	vst v0  }
0x1e: {  	[tilespmem:s29+$0x5018] =	vst v0  }
0x1f: {  	[tilespmem:s29+$0x5000] =	vst v0  }
0x20: {  	[spmem:s11] =	stream.linear.scatter [tilespmem:s18], [sflag:$0x3], $0x1400, $0x38;
	[tilespmem:$0x14000] =	vst v63  }
0x21: {  	_ =	swait.ge [sflag:s17], $0x1400  }
0x22: {  	[sflag:s17] =	ssyncset.done $0x0  }
0x23: {  	[sflag:s17] =	ssyncadd.s32 $0xFFFFEC00  }
0x24: {  	[spmem:s12] =	stream.linear.scatter [tilespmem:s18], [sflag:$0x3], $0x1400, $0x38;
	[tilespmem:$0x14000] =	vst v63  }
0x25: {  	_ =	swait.ge [sflag:s17], $0x1400  }
0x26: {  	[sflag:s17] =	ssyncset.done $0x0  }
0x27: {  	[sflag:s17] =	ssyncadd.s32 $0xFFFFEC00  }
0x28: {  	[spmem:s13] =	stream.linear.scatter [tilespmem:s18], [sflag:$0x3], $0x1400, $0x38;
	[tilespmem:$0x14000] =	vst v63  }
0x29: {  	_ =	swait.ge [sflag:s17], $0x1400  }
0x2a: {  	[sflag:s17] =	ssyncset.done $0x0  }
0x2b: {  	[sflag:s17] =	ssyncadd.s32 $0xFFFFEC00  }
0x2c: {  	[spmem:s14] =	stream.linear.scatter [tilespmem:s18], [sflag:$0x3], $0x1400, $0x38;
	[tilespmem:$0x14000] =	vst v63  }
0x2d: {  	_ =	swait.ge [sflag:s17], $0x1400  }
0x2e: {  	[sflag:s17] =	ssyncset.done $0x0  }
0x2f: {  	[sflag:s17] =	ssyncadd.s32 $0xFFFFEC00  }
0x30: {  	[spmem:s15] =	stream.linear.scatter [tilespmem:s18], [sflag:$0x3], $0x1400, $0x38;
	[tilespmem:$0x14000] =	vst v63  }
0x31: {  	_ =	swait.ge [sflag:s17], $0x1400  }
0x32: {  	[sflag:s17] =	ssyncset.done $0x0  }
0x33: {  	[sflag:s17] =	ssyncadd.s32 $0xFFFFEC00  }
0x34: {  	s28 =	simm.s32 $0x0;
	[bflag:$0x0] =	sbarrier.arrive $0xFFFF  }
0x35: {  	[tilespmem:s28], [sflag:$0x3] =	stream.linear.gather [hbm4b:s7+s28], $0x2800, $0x38;
	[tilespmem:$0x14000] =	vst v63  }
0x36: {  	_ =	swait.ge [sflag:s17], $0x2800  }
0x37: {  	[sflag:s17] =	ssyncset.done $0x0  }
0x38: {  	[sflag:s17] =	ssyncadd.s32 $0xFFFFD800  }
0x39: {  	[tilespmem:s19], [sflag:$0x3] =	stream.linear.gather [hbm4b:s8+s28], $0x2800, $0x38;
	[tilespmem:$0x14000] =	vst v63  }
0x3a: {  	_ =	swait.ge [sflag:s17], $0x2800  }
0x3b: {  	[sflag:s17] =	ssyncset.done $0x0  }
0x3c: {  	[sflag:s17] =	ssyncadd.s32 $0xFFFFD800  }
0x3d: {  	[tilespmem:s18], [sflag:$0x1] =	stream.indirect.gather [spmem:s2], $0x28, s28, s20, $0xb8;
	[tilespmem:$0x14000] =	vst v63  }
0x3e: {  	_ = 	snop  }
0x3f: {  	[tilespmem:s21], [sflag:$0x2] =	stream.indirect.gather [spmem:s2], $0x28, s20, s20, $0xb8;
	[tilespmem:$0x14000] =	vst v63  }
0x40: {  	_ =	swait.ge [sflag:s22], $0x1400  }
0x41: {  	[sflag:s22] =	ssyncset.done $0x0  }
0x42: {  	s28 =	simm.s32 $0x2800;
	[sflag:s22] =	ssyncadd.s32 $0xFFFFEC00  }
0x43: {  	[spmem:s3] =	stream.indirect.scatter.add.f32 [tilespmem:s18], [sflag:$0x3], $0x28, s28, s20, $0xb8;
	[tilespmem:$0x14000] =	vst v63  }
0x44: {  	_ =	swait.ge [sflag:s17], $0x1400  }
0x45: {  	[sflag:s17] =	ssyncset.done $0x0  }
0x46: {  	s28 =	simm.s32 $0x100;
	[sflag:s17] =	ssyncadd.s32 $0xFFFFEC00  }
0x47: {  	[tilespmem:s18], [sflag:$0x1] =	stream.indirect.gather [spmem:s2], $0x28, s28, s20, $0xb8;
	[tilespmem:$0x14000] =	vst v63  }
0x48: {  	_ =	swait.ge [sflag:s23], $0x1400  }
0x49: {  	[sflag:s23] =	ssyncset.done $0x0  }
0x4a: {  	s28 =	simm.s32 $0x2880;
	[sflag:s23] =	ssyncadd.s32 $0xFFFFEC00  }
0x4b: {  	[spmem:s3] =	stream.indirect.scatter.add.f32 [tilespmem:s21], [sflag:$0x3], $0x28, s28, s20, $0xb8;
	[tilespmem:$0x14000] =	vst v63  }
0x4c: {  	_ =	swait.ge [sflag:s17], $0x1400  }
0x4d: {  	[sflag:s17] =	ssyncset.done $0x0  }
0x4e: {  	s29 =	simm.s32 $0x180;
	s28 =	simm.s32 $0x400;
	[sflag:s17] =	ssyncadd.s32 $0xFFFFEC00  }
.LBB2_4:
0x4f: {  	[tilespmem:s21], [sflag:$0x2] =	stream.indirect.gather [spmem:s2], $0x28, s29, s20, $0xb8;
	[tilespmem:$0x14000] =	vst v63  }
0x50: {  	s29 =	smov.u32 s28  }
0x51: {  	p0 =	sne.s32 s28, $0x9800;
	s28 =	sadd.s32 $0x400, s28;
	_ =	swait.ge [sflag:s22], $0x1400  }
0x52: {  	s29 =	sshra.s32 s29, $0x2;
	[sflag:s22] =	ssyncset.done $0x0  }
0x53: {  	s30 =	sadd.s32 $0x2800, s29;
	[sflag:s22] =	ssyncadd.s32 $0xFFFFEC00  }
0x54: {  	[spmem:s3] =	stream.indirect.scatter.add.f32 [tilespmem:s18], [sflag:$0x3], $0x28, s30, s20, $0xb8;
	[tilespmem:$0x14000] =	vst v63  }
0x55: {  	_ =	swait.ge [sflag:s17], $0x1400  }
0x56: {  	[sflag:s17] =	ssyncset.done $0x0  }
0x57: {  	s30 =	sadd.s32 $0x100, s29;
	[sflag:s17] =	ssyncadd.s32 $0xFFFFEC00  }
0x58: {  	[tilespmem:s18], [sflag:$0x1] =	stream.indirect.gather [spmem:s2], $0x28, s30, s20, $0xb8;
	[tilespmem:$0x14000] =	vst v63  }
0x59: {  	_ =	swait.ge [sflag:s23], $0x1400  }
0x5a: {  	[sflag:s23] =	ssyncset.done $0x0  }
.Ltmp1:
0x5b: {  	s30 =	sadd.s32 $0x2880, s29;
	[sflag:s23] =	ssyncadd.s32 $0xFFFFEC00;
	(pc) =	sbr.rel @p0 .LBB2_4-.Ltmp1, $4  }
0x5c: {  	[spmem:s3] =	stream.indirect.scatter.add.f32 [tilespmem:s21], [sflag:$0x3], $0x28, s30, s20, $0xb8;
	[tilespmem:$0x14000] =	vst v63  }
0x5d: {  	_ =	swait.ge [sflag:s17], $0x1400  }
0x5e: {  	[sflag:s17] =	ssyncset.done $0x0  }
0x5f: {  	s29 =	sadd.s32 $0x180, s29;
	[sflag:s17] =	ssyncadd.s32 $0xFFFFEC00  }
0x60: {  	[tilespmem:s21], [sflag:$0x2] =	stream.indirect.gather [spmem:s2], $0x28, s29, s20, $0xb8;
	[tilespmem:$0x14000] =	vst v63  }
0x61: {  	_ =	swait.ge [sflag:s22], $0x1400  }
0x62: {  	[sflag:s22] =	ssyncset.done $0x0  }
0x63: {  	[sflag:s22] =	ssyncadd.s32 $0xFFFFEC00  }
0x64: {  	[spmem:s3] =	stream.indirect.scatter.add.f32 [tilespmem:s18], [sflag:$0x3], $0x28, s24, s20, $0xb8;
	[tilespmem:$0x14000] =	vst v63  }
0x65: {  	_ =	swait.ge [sflag:s17], $0x1400  }
0x66: {  	[sflag:s17] =	ssyncset.done $0x0  }
0x67: {  	[sflag:s17] =	ssyncadd.s32 $0xFFFFEC00  }
0x68: {  	_ =	swait.ge [sflag:s23], $0x1400  }
0x69: {  	[sflag:s23] =	ssyncset.done $0x0  }
0x6a: {  	[sflag:s23] =	ssyncadd.s32 $0xFFFFEC00  }
0x6b: {  	[spmem:s3] =	stream.indirect.scatter.add.f32 [tilespmem:s21], [sflag:$0x3], $0x28, s26, s20, $0xb8;
	[tilespmem:$0x14000] =	vst v63  }
0x6c: {  	_ =	swait.ge [sflag:s17], $0x1400  }
0x6d: {  	s4 =	sadd.s32 $0x1, s4;
	[sflag:s17] =	ssyncset.done $0x0  }
0x6e: {  	p0 =	sne.s32 s4, s10;
	[sflag:s17] =	ssyncadd.s32 $0xFFFFEC00  }
.Ltmp2:
0x6f: {  	[bflag:$0x0] =	sbarrier.arrive $0xFFFF;
	(pc) =	sbr.rel @p0 .LBB2_1-.Ltmp2, $4  }
0x70: {  	[hbm:s9], [sflag:s6] =	dma.local [spmem:s25], $0xC80  }
0x71: {  	_ =	swait.ge [sflag:s17], $0xC80  }
0x72: {  	[sflag:s17] =	ssyncset.done $0x0  }
0x73: {  	[sflag:s17] =	ssyncadd.s32 $0xFFFFF380  }
0x74: {  	_ =	sfence.sel $0x180000  }
0x75: {  	[bflag:$0x0] =	sbarrier.arrive $0xFFFF  }
0x76: {  	p0 =	sne.s32 s1, $0x0;
	_ =	strace $0x9000004D  }
0x77: {  	s0 =	sadd.s32 @!p0 $0x100000, s0;
	[bflag:$0x2] =	sbarrier.arrive $0xFFFF  }
0x78: {  	[sflag:s0] =	ssyncadd.tile.s32 @!p0 $0x1;
	_ =	shalt  }
.Lfunc_end2:
_tile_overlayer_lowered:
.L_overlay_start_2:
0x79: {  	(tag) =	ssettag $0x2  }
0x7a: {  	s0 =	rddreg [dreg:$0x0];
	s2 =	stileid.u32  }
0x7b: {  	s1 =	rddreg [dreg:$0x1];
	p0 =	sne.s32 s2, $0x0  }
0x7c: {  	s3 =	rddreg [dreg:$0x2];
	[bflag:$0x3] =	sbarrier.arrive $0xFFFF;
	s2 =	simm.s32 @!p0 $0x1C03  }
0x7d: {  	[timem:s3], [sflag:s2] =	dma.local @!p0 [hbm:s0], s1  }
0x7e: {  	s0 =	simm.s32 @!p0 $0x3  }
0x7f: {  	_ =	swait.ge @!p0 [sflag:s0], s1  }
0x80: {  	s1 =	ssub.s32 @!p0 $0x0, s1;
	[sflag:s0] =	ssyncset.done @!p0 $0x0  }
0x81: {  	[sflag:s0] =	ssyncadd.s32 @!p0 s1  }
0x82: {  	[bflag:$0x3] =	sbarrier.arrive $0xFFFF  }
0x83: {  	_ =	shalt  }

// kernel: kernel.8.cloned.1.call-start
scs
__scs_entry_jumppad:
0x0: {  	(pc) =	sbr.rel $0x88, $3  }
0x1: {  	(tag) =	ssettag $0x0;
	lr =	simm.s32 $0x1  }
0x2: {  	[smem:$0x3F9D] =	sst lr;
	_ =	strace $0xD0000000  }
0x3: {  	_ = 	snop  }
0x4: {  	_ = 	snop  }
0x5: {  	_ = 	snop  }
0x6: {  	_ = 	snop  }
0x7: {  	_ = 	snop  }
__scs_overlays_trampoline_lowered:
0x8: {  	[smem:$0x3FAC] =	sst s0  }
0x9: {  	[smem:$0x3FAD] =	sst s1  }
0xa: {  	[smem:$0x3FAE] =	sst s2  }
0xb: {  	[smem:$0x3FAF] =	sst s3  }
0xc: {  	[smem:$0x3FB0] =	sst s4  }
0xd: {  	[smem:$0x3FB1] =	sst s5  }
0xe: {  	[smem:$0x3FB2] =	sst s6  }
0xf: {  	[smem:$0x3FB3] =	sst s7  }
0x10: {  	[smem:$0x3FB4] =	sst s8  }
0x11: {  	[smem:$0x3FB5] =	sst s9;
	s0 =	simm.s32 @!p0 $0x0  }
0x12: {  	s1 =	sld [smem:$0x3F9B];
	s0 =	simm.s32 @p0 $0x1  }
0x13: {  	[smem:$0x3FB6] =	sst s0;
	s0 =	simm.s32 @!p1 $0x0  }
0x14: {  	s2 =	sld [smem:$0x3F9A];
	s0 =	simm.s32 @p1 $0x1  }
0x15: {  	[smem:$0x3FB7] =	sst s0;
	s0 =	simm.s32 @!p2 $0x0  }
0x16: {  	s3 =	sld [smem:$0x3FDB];
	s0 =	simm.s32 @p2 $0x1  }
0x17: {  	s4 =	simm.s32 $0x1BF5;
	[smem:$0x3FB9] =	sst s0  }
0x18: {  	s0 =	sld [smem:$0x3F9C];
	_ =	swait.ge [sflag:s4], $0x0  }
0x19: {  	s7 =	sld [smem:$0x3F9D]  }
0x1a: {  	s8 =	sadd.s32 $0xFFFFE003, lr  }
0x1b: {  	s9 =	sadd.s32 $0xFFFFFEF7, lr;
	s5 =	simm.s32 $0xFFFFFFFF;
	p2 =	slt.u32 s8, $0xFFFFF086  }
0x1c: {  	p1 =	slt.u32 s9, $0xF7A;
	s5 =	simm.s32 @!p2 $0x0  }
0x1d: {  	s5 =	simm.s32 @p1 $0x1;
	p0 =	seq.s32 s7, s2  }
0x1e: {  	s7 =	smul.u32 @!p0 $0xF7A, s2;
	p2 =	seq.s32 @!p0 s5, $0x0  }
0x1f: {  	s9 =	smul.u32 $0xF7A, s1;
	s8 =	simm.s32 @!p0 $0x1BF5;
	p2 =	por !p2, p0  }
0x20: {  	[sflag:s8] =	ssyncset.s32 @!p0 $0xFFFFF086;
	s6 =	sadd.s32 @!p0 s3, s7;
	s7 =	simm.s32 @!p0 $0x108  }
0x21: {  	s3 =	sadd.s32 s3, s9;
	s6 =	sadd.s32 @!p0 $0x88, s6;
	s7 =	simm.s32 @p2 $0x1082  }
0x22: {  	[simem:s7], [sflag:s8] =	dma.local @!p0 [hbm:s6], $0xF7A  }
0x23: {  	s9 =	sor.u32 $0xD0000000, s2;
	s6 =	simm.s32 $0x108;
	_ =	swait.ge @!p0 [sflag:s8], $0x0  }
0x24: {  	s3 =	sadd.s32 $0x88, s3;
	s6 =	simm.s32 @!p1 $0x1082;
	[sflag:s4] =	ssyncset.s32 $0xFFFFF086  }
0x25: {  	[simem:s6], [sflag:s4] =	dma.local [hbm:s3], $0xF7A  }
0x26: {  	[smem:$0x3F9D] =	sst s1;
	(tag) =	ssettag s2;
	_ =	strace s9  }
0x27: {  	s1 =	sld [smem:$0x3FAD]  }
0x28: {  	s2 =	sld [smem:$0x3FAE]  }
0x29: {  	s4 =	sld [smem:$0x3FB0]  }
0x2a: {  	p0 =	seq.s32 s5, $0x0;
	s5 =	sld [smem:$0x3FB1]  }
0x2b: {  	s6 =	sld [smem:$0x3FB2]  }
0x2c: {  	s7 =	sld [smem:$0x3FB3]  }
0x2d: {  	s3 =	simm.s32 $0x108;
	s8 =	sld [smem:$0x3FB4]  }
0x2e: {  	s3 =	simm.s32 @!p0 $0x1082;
	s9 =	sld [smem:$0x3FB5]  }
0x2f: {  	lr =	sadd.s32 s0, s3;
	s0 =	sld [smem:$0x3FAC]  }
0x30: {  	s3 =	sld [smem:$0x3FAF]  }
0x31: {  	[smem:$0x3FB8] =	sst s10  }
0x32: {  	s10 =	sld [smem:$0x3FB6];
	_ =	sdelay $0x3  }
0x33: {  	p0 =	seq.s32 s10, $0x1;
	s10 =	sld [smem:$0x3FB8];
	_ =	sdelay $0x3  }
0x34: {  	[smem:$0x3FB8] =	sst s10  }
0x35: {  	s10 =	sld [smem:$0x3FB7];
	_ =	sdelay $0x3  }
0x36: {  	p1 =	seq.s32 s10, $0x1;
	s10 =	sld [smem:$0x3FB8];
	_ =	sdelay $0x3  }
0x37: {  	[smem:$0x3FB8] =	sst s10  }
0x38: {  	s10 =	sld [smem:$0x3FB9]  }
0x39: {  	_ = 	snop;
	(pc) =	sbr.ind lr, $3  }
0x3a: {  	_ = 	snop  }
0x3b: {  	_ = 	snop  }
0x3c: {  	p2 =	seq.s32 s10, $0x1;
	s10 =	sld [smem:$0x3FB8]  }
0x3d: {  	_ =	shalt  }
0x3e: {  	_ =	shalt  }
0x3f: {  	_ =	shalt  }
0x40: {  	_ =	shalt  }
0x41: {  	_ =	shalt  }
0x42: {  	_ =	shalt  }
0x43: {  	_ =	shalt  }
0x44: {  	_ =	shalt  }
0x45: {  	_ =	shalt  }
0x46: {  	_ =	shalt  }
0x47: {  	_ =	shalt  }
0x48: {  	_ =	shalt  }
0x49: {  	_ =	shalt  }
0x4a: {  	_ =	shalt  }
0x4b: {  	_ =	shalt  }
0x4c: {  	_ =	shalt  }
0x4d: {  	_ =	shalt  }
0x4e: {  	_ =	shalt  }
0x4f: {  	_ =	shalt  }
0x50: {  	_ =	shalt  }
0x51: {  	_ =	shalt  }
0x52: {  	_ =	shalt  }
0x53: {  	_ =	shalt  }
0x54: {  	_ =	shalt  }
0x55: {  	_ =	shalt  }
0x56: {  	_ =	shalt  }
0x57: {  	_ =	shalt  }
0x58: {  	_ =	shalt  }
0x59: {  	_ =	shalt  }
0x5a: {  	_ =	shalt  }
0x5b: {  	_ =	shalt  }
0x5c: {  	_ =	shalt  }
0x5d: {  	_ =	shalt  }
0x5e: {  	_ =	shalt  }
0x5f: {  	_ =	shalt  }
0x60: {  	_ =	shalt  }
0x61: {  	_ =	shalt  }
0x62: {  	_ =	shalt  }
0x63: {  	_ =	shalt  }
0x64: {  	_ =	shalt  }
0x65: {  	_ =	shalt  }
0x66: {  	_ =	shalt  }
0x67: {  	_ =	shalt  }
0x68: {  	_ =	shalt  }
0x69: {  	_ =	shalt  }
0x6a: {  	_ =	shalt  }
0x6b: {  	_ =	shalt  }
0x6c: {  	_ =	shalt  }
0x6d: {  	_ =	shalt  }
0x6e: {  	_ =	shalt  }
0x6f: {  	_ =	shalt  }
0x70: {  	_ =	shalt  }
0x71: {  	_ =	shalt  }
0x72: {  	_ =	shalt  }
0x73: {  	_ =	shalt  }
0x74: {  	_ =	shalt  }
0x75: {  	_ =	shalt  }
0x76: {  	_ =	shalt  }
0x77: {  	_ =	shalt  }
0x78: {  	_ =	shalt  }
0x79: {  	_ =	shalt  }
0x7a: {  	_ =	shalt  }
0x7b: {  	_ =	shalt  }
0x7c: {  	_ =	shalt  }
0x7d: {  	_ =	shalt  }
0x7e: {  	_ =	shalt  }
0x7f: {  	_ =	shalt  }
0x80: {  	_ =	shalt  }
0x81: {  	_ =	shalt  }
0x82: {  	_ =	shalt  }
0x83: {  	_ =	shalt  }
0x84: {  	_ =	shalt  }
0x85: {  	_ =	shalt  }
0x86: {  	_ =	shalt  }
0x87: {  	_ =	shalt  }
.Lfunc_end0:
.L_simem_size_0:
called_computation_lowered:
.L_overlay_start_0:
0x88: {  	s2 =	sld [smem:$0x3FD9]  }
0x89: {  	s3 =	sld [smem:$0x3FFE];
	_ =	sdelay $0x1  }
0x8a: {  	s1 =	srdreg.scid  }
0x8b: {  	s0 =	sand.u32 $0x1, s1  }
0x8c: {  	s17 =	sshll.u32 s0, $0xA;
	s2 =	sadd.s32 s3, s2  }
0x8d: {  	s2 =	sadd.s32 s2, s17  }
0x8e: {  	[smem:$0x3FC4] =	sst s2  }
0x8f: {  	_ = 	snop  }
0x90: {  	s2 =	sld [smem:$0x3FD0];
	(tm) =	ssettm $0x1  }
0x91: {  	s18 =	sld [smem:$0x3FFB];
	_ =	sdelay $0x3  }
0x92: {  	_ =	strace s18  }
0x93: {  	s3 =	sld [smem:$0x3FFC];
	_ =	sdelay $0x3  }
0x94: {  	_ =	strace s3  }
0x95: {  	s3 =	sld [smem:$0x3FFD];
	_ =	sdelay $0x3  }
0x96: {  	_ =	strace s3  }
0x97: {  	_ =	strace $0x8FFFFFFF  }
0x98: {  	s19 =	sld [smem:$0x3FDB];
	_ =	sdelay $0x1  }
0x99: {  	s4 =	simm.s32 $_scs_section_size  }
0x9a: {  	s5 =	simm.s32 $_size__tile_overlayer_lowered;
	s6 =	simm.s32 $_tile_overlayer_lowered  }
0x9b: {  	s22 =	simm.s32 $0x1BFF;
	s21 =	sshll.u32 s6, $0x1;
	s3 =	sadd.s32 s4, s19  }
0x9c: {  	s7 =	simm.s32 $0x0;
	s20 =	sshll.u32 s5, $0x1;
	s5 =	sadd.s32 s21, s3  }
0x9d: {  	[timem:s7], [sflag:s22] =	dma.local [hbm:s5], s20  }
0x9e: {  	_ =	swait.ge [sflag:s22], s20  }
0x9f: {  	s4 =	ssub.s32 $0x0, s20;
	[sflag:s22] =	ssyncset.done $0x0  }
0xa0: {  	[sflag:s22] =	ssyncadd.s32 s4;
	_ =	sdelay $0x1  }
0xa1: {  	s23 =	simm.s32 $0x1B8B  }
0xa2: {  	_ =	swait.ge [sflag:s23], $0x1  }
0xa3: {  	[sflag:s23] =	ssyncset.done $0x0  }
0xa4: {  	s25 =	simm.s32 $0x1B8E;
	s24 =	sld [smem:$0x3FFE];
	[sflag:s23] =	ssyncadd.s32 $0xFFFFFFFF  }
0xa5: {  	s26 =	simm.s32 $execute0_lowered;
	[smem:$0x3FD2] =	sst s25  }
0xa6: {  	s5 =	sshll.u32 s26, $0x1;
	_ =	strace $0x80000046;
	[dreg:$0x1] =	wrdreg $0xFFFFFFFF  }
0xa7: {  	s28 =	simm.s32 $_size_execute0_lowered;
	s3 =	sadd.s32 s3, s5;
	[dreg:$0x0] =	wrdreg $0x0  }
0xa8: {  	s5 =	sshll.u32 s28, $0x1;
	[dreg:$0x2] =	wrdreg s3  }
0xa9: {  	[dreg:$0x3] =	wrdreg s5  }
0xaa: {  	[dreg:$0x4] =	wrdreg $0xC0  }
0xab: {  	_ =	task [dreg:s7], $0x5FFFF  }
0xac: {  	[dreg:$0x1] =	wrdreg $0xFFFFFFFF  }
0xad: {  	[dreg:$0x0] =	wrdreg $0x60  }
0xae: {  	[dreg:$0x2] =	wrdreg s24  }
0xaf: {  	[dreg:$0x3] =	wrdreg s2  }
0xb0: {  	[dreg:$0x4] =	wrdreg $0x2B000  }
0xb1: {  	[dreg:$0x5] =	wrdreg $0x9  }
0xb2: {  	_ =	task.clear_ibuf [dreg:s7], $0x6FFFF;
	_ =	strace $0x90000046  }
0xb3: {  	s29 =	simm.s32 $0x9;
	_ =	strace $0x80000048  }
0xb4: {  	_ =	swait.ge [sflag:s29], $0x1  }
0xb5: {  	[sflag:s29] =	ssyncadd.s32 $0xFFFFFFFF  }
0xb6: {  	_ =	strace $0x90000048  }
0xb7: {  	_ =	sfence  }
0xb8: {  	s30 =	sld [smem:$0x0];
	_ =	sdelay $0x2  }
0xb9: {  	s31 =	sshll.u32 s1, $0xD;
	s1 =	sshrl.u32 s1, $0x2  }
0xba: {  	s3 =	sand.u32 $0x4000, s31;
	s1 =	sadd.s32 s1, s30  }
0xbb: {  	s0 =	sor.u32 s3, s0;
	s1 =	sshll.u32 s1, $0x11  }
0xbc: {  	s0 =	sor.u32 s1, s0  }
0xbd: {  	s0 =	sadd.s32 $0x8F2B, s0  }
0xbe: {  	[sflag:s0] =	ssyncadd.remote.s32 $0x1  }
0xbf: {  	_ =	sfence.sel $0xFFFF  }
0xc0: {  	[dreg:$0x0] =	wrdreg $0xFFFFFFFF;
	(pc) =	sbr.abs _section_cstart, $3  }
0xc1: {  	[dreg:$0x1] =	wrdreg $0xFFFFFFFF  }
0xc2: {  	_ =	task.clear_ibuf [dreg:s7], $0x2FFFF;
	_ =	strace $0x9FFFFFFF  }
0xc3: {  	(tm) =	ssettm $0x7FFFFFFF  }
tec
execute0_lowered:
.L_overlay_start_1:
0x0: {  	(tag) =	ssettag $0x1  }
0x1: {  	s4 =	rddreg [dreg:$0x0]  }
0x2: {  	s6 =	rddreg [dreg:$0x1]  }
0x3: {  	s0 =	srdreg.scid;
	s2 =	rddreg [dreg:$0x2]  }
0x4: {  	s3 =	simm.s32 $0x0;
	s5 =	sand.u32 $0x1, s0;
	s0 =	stileid.u32  }
0x5: {  	s11 =	simm.s32 $0x2800;
	s12 =	simm.s32 $0x0;
	s8 =	smul.u32 $0x280, s0  }
0x6: {  	[smem:$0x7FF] =	sst s3;
	s1 =	sshll.u32 s5, $0x4;
	s9 =	smul.u32 $0x2800, s5  }
0x7: {  	s5 =	ssub.s32 $0x2, s5;
	s7 =	sor.u32 s0, s1;
	s1 =	rddreg [dreg:$0x3]  }
0x8: {  	s10 =	sshrl.u32 s5, $0x1;
	s7 =	smul.u32 $0x2800, s7;
	s9 =	sadd.s32 s8, s9  }
0x9: {  	_ =	strace $0x80000047;
	s10 =	ssub.s32 s5, s10;
	s31 =	sshrl.u32 s9, $0x3  }
0xa: {  	s9 =	simm.s32 $0x1;
	s7 =	sshrl.u32 s7, $0x3;
	s6 =	sadd.s32 s6, s31  }
0xb: {  	s30 =	sadd.s32 s4, s7;
	s4 =	sadd.s32 s8, s2;
	s7 =	smax.u32 s10, $0x1  }
0xc: {  	v0 =	vimm.f32 $1.000000000e+00;
	v1 =	vimm.f32 $0.0e+00;
	s8 =	simm.s32 $0x2880;
	s10 =	simm.s32 $0x80;
	s5 =	sadd.s32 $0xBE00, s30  }
.LBB2_1:
0xd: {  	[tilespmem:$0x2800] =	vst v0  }
0xe: {  	[tilespmem:$0x2810] =	vst v0  }
0xf: {  	[tilespmem:$0x2820] =	vst v0  }
0x10: {  	[tilespmem:$0x2830] =	vst v0  }
0x11: {  	[tilespmem:$0x2840] =	vst v0  }
0x12: {  	[tilespmem:$0x2850] =	vst v0  }
0x13: {  	[tilespmem:$0x2860] =	vst v0  }
0x14: {  	[tilespmem:$0x2870] =	vst v0  }
0x15: {  	[tilespmem:$0x2880] =	vst v1  }
0x16: {  	[tilespmem:$0x2890] =	vst v1  }
0x17: {  	[tilespmem:$0x28A0] =	vst v1  }
0x18: {  	[tilespmem:$0x28B0] =	vst v1  }
0x19: {  	[tilespmem:$0x28C0] =	vst v1  }
0x1a: {  	[tilespmem:$0x28D0] =	vst v1  }
0x1b: {  	[tilespmem:$0x28E0] =	vst v1  }
0x1c: {  	[tilespmem:$0x28F0] =	vst v1  }
0x1d: {  	[tilespmem:$0x2900] =	vst v1  }
0x1e: {  	[tilespmem:$0x2910] =	vst v1  }
0x1f: {  	[tilespmem:$0x2920] =	vst v1  }
0x20: {  	[tilespmem:$0x2930] =	vst v1  }
0x21: {  	[tilespmem:$0x2940] =	vst v1  }
0x22: {  	[tilespmem:$0x2950] =	vst v1  }
0x23: {  	[tilespmem:$0x2960] =	vst v1  }
0x24: {  	[tilespmem:$0x2970] =	vst v1  }
0x25: {  	[tilespmem:$0x2980] =	vst v1  }
0x26: {  	[tilespmem:$0x2990] =	vst v1  }
0x27: {  	[tilespmem:$0x29A0] =	vst v1  }
0x28: {  	[tilespmem:$0x29B0] =	vst v1  }
0x29: {  	[tilespmem:$0x29C0] =	vst v1  }
0x2a: {  	[tilespmem:$0x29D0] =	vst v1  }
0x2b: {  	[tilespmem:$0x29E0] =	vst v1  }
0x2c: {  	[tilespmem:$0x29F0] =	vst v1  }
0x2d: {  	[tilespmem:$0x2A00] =	vst v1  }
0x2e: {  	[tilespmem:$0x2A10] =	vst v1  }
0x2f: {  	[tilespmem:$0x2A20] =	vst v1  }
0x30: {  	[tilespmem:$0x2A30] =	vst v1  }
0x31: {  	[tilespmem:$0x2A40] =	vst v1  }
0x32: {  	[tilespmem:$0x2A50] =	vst v1  }
0x33: {  	[tilespmem:$0x2A60] =	vst v1  }
0x34: {  	[tilespmem:$0x2A70] =	vst v1  }
0x35: {  	[tilespmem:$0x2A80] =	vst v1  }
0x36: {  	[tilespmem:$0x2A90] =	vst v1  }
0x37: {  	[tilespmem:$0x2AA0] =	vst v1  }
0x38: {  	[tilespmem:$0x2AB0] =	vst v1  }
0x39: {  	[tilespmem:$0x2AC0] =	vst v1  }
0x3a: {  	[tilespmem:$0x2AD0] =	vst v1  }
0x3b: {  	[tilespmem:$0x2AE0] =	vst v1  }
0x3c: {  	[tilespmem:$0x2AF0] =	vst v1  }
0x3d: {  	[spmem:s4] =	stream.linear.scatter [tilespmem:s8], [sflag:$0x1], $0x280, $0x38;
	[tilespmem:$0x2D80] =	vst v63  }
0x3e: {  	_ =	swait.ge [sflag:s9], $0x280  }
0x3f: {  	[sflag:s9] =	ssyncset.done $0x0  }
0x40: {  	[sflag:s9] =	ssyncadd.s32 $0xFFFFFD80  }
0x41: {  	[tilespmem:s3], [sflag:$0x1] =	stream.linear.gather [hbm4b:s5+s3], $0x2800, $0x38;
	[tilespmem:$0x2D80] =	vst v63  }
0x42: {  	_ =	swait.ge [sflag:s9], $0x2800  }
0x43: {  	[sflag:s9] =	ssyncset.done $0x0  }
0x44: {  	[sflag:s9] =	ssyncadd.s32 $0xFFFFD800  }
0x45: {  	s13 =	simm.s32 $0x0;
	[bflag:$0x0] =	sbarrier.arrive $0xFFFF  }
0x46: {  	[spmem:s2] =	stream.indirect.scatter.add.f32 [tilespmem:s11], [sflag:$0x1], $0x1, s13, s10, $0xb8;
	[tilespmem:$0x2D80] =	vst v63  }
0x47: {  	_ =	swait.ge [sflag:s9], $0x80  }
0x48: {  	s13 =	simm.s32 $0x200;
	[sflag:s9] =	ssyncset.done $0x0  }
.LBB2_2:
0x49: {  	s14 =	sshra.s32 s13, $0x2;
	[sflag:s9] =	ssyncadd.s32 $0xFFFFFF80;
	p0 =	sne.s32 s13, $0x9E00  }
0x4a: {  	[spmem:s2] =	stream.indirect.scatter.add.f32 [tilespmem:s11], [sflag:$0x1], $0x1, s14, s10, $0xb8;
	[tilespmem:$0x2D80] =	vst v63  }
.Ltmp0:
0x4b: {  	_ = 	snop;
	(pc) =	sbr.rel @p0 .LBB2_2-.Ltmp0, $4  }
0x4c: {  	_ = 	snop  }
0x4d: {  	s13 =	sadd.s32 $0x200, s13  }
0x4e: {  	_ =	swait.ge [sflag:s9], $0x80  }
0x4f: {  	[sflag:s9] =	ssyncset.done $0x0  }
0x50: {  	[sflag:s9] =	ssyncadd.s32 $0xFFFFFF80  }
0x51: {  	[bflag:$0x0] =	sbarrier.arrive $0xFFFF  }
0x52: {  	[tilespmem:s8], [sflag:$0x1] =	stream.linear.gather [spmem:s4], $0x280, $0x38;
	[tilespmem:$0x2D80] =	vst v63  }
0x53: {  	s12 =	sadd.s32 $0x1, s12;
	_ =	swait.ge [sflag:s9], $0x280  }
0x54: {  	p0 =	sne.s32 s12, s7;
	[sflag:s9] =	ssyncset.done $0x0  }
.Ltmp1:
0x55: {  	[sflag:s9] =	ssyncadd.s32 $0xFFFFFD80;
	(pc) =	sbr.rel @p0 .LBB2_1-.Ltmp1, $4  }
0x56: {  	[hbm4b:s6+s3] =	stream.linear.scatter [tilespmem:s8], [sflag:$0x1], $0x280, $0x38;
	[tilespmem:$0x2D80] =	vst v63  }
0x57: {  	_ =	swait.ge [sflag:s9], $0x280  }
0x58: {  	[sflag:s9] =	ssyncset.done $0x0  }
0x59: {  	[sflag:s9] =	ssyncadd.s32 $0xFFFFFD80  }
0x5a: {  	_ =	sfence.sel $0x180000  }
0x5b: {  	[bflag:$0x0] =	sbarrier.arrive $0xFFFF  }
0x5c: {  	p0 =	sne.s32 s0, $0x0;
	_ =	strace $0x90000047  }
0x5d: {  	s0 =	sadd.s32 @!p0 $0x100000, s1;
	[bflag:$0x2] =	sbarrier.arrive $0xFFFF  }
0x5e: {  	[sflag:s0] =	ssyncadd.tile.s32 @!p0 $0x1;
	_ =	shalt  }
.Lfunc_end2:
_tile_overlayer_lowered:
.L_overlay_start_2:
0x5f: {  	(tag) =	ssettag $0x2  }
0x60: {  	s0 =	rddreg [dreg:$0x0];
	s2 =	stileid.u32  }
0x61: {  	s1 =	rddreg [dreg:$0x1];
	p0 =	sne.s32 s2, $0x0  }
0x62: {  	s3 =	rddreg [dreg:$0x2];
	[bflag:$0x3] =	sbarrier.arrive $0xFFFF;
	s2 =	simm.s32 @!p0 $0x1C01  }
0x63: {  	[timem:s3], [sflag:s2] =	dma.local @!p0 [hbm:s0], s1  }
0x64: {  	s0 =	simm.s32 @!p0 $0x1  }
0x65: {  	_ =	swait.ge @!p0 [sflag:s0], s1  }
0x66: {  	s1 =	ssub.s32 @!p0 $0x0, s1;
	[sflag:s0] =	ssyncset.done @!p0 $0x0  }
0x67: {  	[sflag:s0] =	ssyncadd.s32 @!p0 s1  }
0x68: {  	[bflag:$0x3] =	sbarrier.arrive $0xFFFF  }
0x69: {  	_ =	shalt  }

</sc_bundles>
